<compile_context>
chip_gen: v7x
topology: tpu7x:2x2x1
jax: 0.10.2.dev20260603
libtpu: 0.0.44.dev20260713+nightly
codegen_flags: <defaults>
</compile_context>

<pallas_src>
import functools

import jax
import jax.numpy as jnp
from jax import lax
from jax.experimental import pallas as pl
from jax.experimental.pallas import tpu as pltpu
from jax.experimental.pallas import tpu_sc as plsc




@functools.lru_cache(maxsize=None)
def _make_deg(E, N, NC, NS):
  NW = NC * NS
  per = E // NW
  mesh = plsc.VectorSubcoreMesh(core_axis_name="c", subcore_axis_name="s")

  @functools.partial(
      pl.kernel,
      mesh=mesh,
      compiler_params=pltpu.CompilerParams(needs_layout_passes=False),
      out_type=[
          jax.ShapeDtypeStruct((NW, N), jnp.float32),
          jax.ShapeDtypeStruct((E,), jnp.int32),
      ],
      scratch_types=[
          pltpu.VMEM((per,), jnp.int32),
          pltpu.VMEM((per,), jnp.int32),
          pltpu.VMEM((per,), jnp.int32),
          pltpu.VMEM((N,), jnp.float32),
      ],
  )
  def deg_kernel(ei_hbm, out_hbm, pk_hbm, schunk, dchunk, pchunk, cnt):
    wid = lax.axis_index("s") * NC + lax.axis_index("c")
    pltpu.sync_copy(ei_hbm.at[pl.ds(wid * per, per)], schunk)
    pltpu.sync_copy(ei_hbm.at[pl.ds(E + wid * per, per)], dchunk)

    zero = jnp.zeros((16,), jnp.float32)

    @plsc.parallel_loop(0, N // 16, unroll=8)
    def zbody(i):
      cnt[pl.ds(i * 16, 16)] = zero

    ones = jnp.ones((16,), jnp.float32)

    @plsc.parallel_loop(0, per // 16, unroll=8)
    def body(i):
      s = schunk[pl.ds(i * 16, 16)]
      d = dchunk[pl.ds(i * 16, 16)]
      pchunk[pl.ds(i * 16, 16)] = (s << 14) | d
      plsc.addupdate_scatter(cnt, [d], ones)
    pltpu.sync_copy(cnt, out_hbm.at[wid])
    pltpu.sync_copy(pchunk, pk_hbm.at[pl.ds(wid * per, per)])

  return deg_kernel


@functools.lru_cache(maxsize=None)
def _make_scatter(E, N, H, NC, NS, C):
  NW = NC * NS
  R = H // NW
  P = R // 2
  mesh = plsc.VectorSubcoreMesh(core_axis_name="c", subcore_axis_name="s")

  @functools.partial(
      pl.kernel,
      mesh=mesh,
      compiler_params=pltpu.CompilerParams(needs_layout_passes=False),
      out_type=jax.ShapeDtypeStruct((H * N,), jnp.float32),
      scratch_types=[
          pltpu.VMEM((P * N,), jnp.int32),
          pltpu.VMEM((R * N,), jnp.float32),
          pltpu.VMEM((C,), jnp.int32),
          pltpu.VMEM((C,), jnp.int32),
          pltpu.SemaphoreType.DMA,
          pltpu.SemaphoreType.DMA,
      ],
  )
  def scat_kernel(hp_hbm, pk_hbm, out_hbm,
                  hrows, acc, ech0, ech1, sem0, sem1):
    wid = lax.axis_index("s") * NC + lax.axis_index("c")
    pltpu.async_copy(pk_hbm.at[pl.ds(0, C)], ech0, sem0)
    pltpu.sync_copy(hp_hbm.at[pl.ds(wid * (P * N), P * N)], hrows)

    zero = jnp.zeros((16,), jnp.float32)

    @plsc.parallel_loop(0, (R * N) // 16, unroll=8)
    def zbody(i):
      acc[pl.ds(i * 16, 16)] = zero

    nchunk = E // C

    def start(ci, eref, sem):
      pltpu.async_copy(pk_hbm.at[pl.ds(ci * C, C)], eref, sem)

    def waitbuf(eref, sem):
      pltpu.make_async_copy(pk_hbm.at[pl.ds(0, C)], eref, sem).wait()

    himask = jnp.full((16,), -65536, jnp.int32)
    dmask = jnp.full((16,), 16383, jnp.int32)

    def compute(eref):
      @plsc.parallel_loop(0, C // 16, unroll=1)
      def vb(i):
        e = eref[pl.ds(i * 16, 16)]
        s = e >> 14
        d = e & dmask
        for p in range(P):
          v = plsc.load_gather(hrows, [s + (p * N)])
          hi = plsc.bitcast(v & himask, jnp.float32)
          lo = plsc.bitcast(v << 16, jnp.float32)
          plsc.addupdate_scatter(acc, [d + (p * N)], hi)
          plsc.addupdate_scatter(acc, [d + ((P + p) * N)], lo)

    def group(gi, carry):
      c0 = 2 * gi
      start(c0 + 1, ech1, sem1)
      waitbuf(ech0, sem0)
      compute(ech0)
      start(lax.rem(c0 + 2, nchunk), ech0, sem0)
      waitbuf(ech1, sem1)
      compute(ech1)
      return carry

    lax.fori_loop(0, nchunk // 2, group, 0)
    waitbuf(ech0, sem0)
    pltpu.sync_copy(acc.at[pl.ds(0, P * N)],
                    out_hbm.at[pl.ds(wid * (P * N), P * N)])
    pltpu.sync_copy(acc.at[pl.ds(P * N, P * N)],
                    out_hbm.at[pl.ds((NW + wid) * (P * N), P * N)])

  return scat_kernel




def _ka_body(x_ref, w1_ref, b1_ref, cnt_ref, dis_ref, hp_ref):
  z = lax.dot_general(w1_ref[...], x_ref[...], (((1,), (1,)), ((), ())),
                      preferred_element_type=jnp.float32)
  deg = jnp.sum(cnt_ref[...], axis=0, keepdims=True) + 1.0
  dis = lax.rsqrt(deg)
  dis_ref[...] = dis
  hts = jnp.sin(z + b1_ref[...]) * dis
  hh = hts.shape[0] // 2
  top = lax.bitcast_convert_type(
      hts[:hh].astype(jnp.bfloat16), jnp.uint16).astype(jnp.uint32)
  bot = lax.bitcast_convert_type(
      hts[hh:].astype(jnp.bfloat16), jnp.uint16).astype(jnp.uint32)
  hp_ref[...] = lax.bitcast_convert_type((top << 16) | bot, jnp.int32)


def _kb_body(accT_ref, hp_ref, dis_ref, wg_ref, bg_ref, wc_ref, bc_ref, y_ref):
  dis = dis_ref[...]
  hh = hp_ref.shape[0]
  hp = lax.bitcast_convert_type(hp_ref[...], jnp.uint32)
  hi = lax.bitcast_convert_type(hp & jnp.uint32(0xFFFF0000), jnp.float32)
  lo = lax.bitcast_convert_type(hp << 16, jnp.float32)
  m_top = (accT_ref[:hh, :] + hi) * dis
  m_bot = (accT_ref[hh:, :] + lo) * dis
  g = (lax.dot_general(wg_ref[:, :hh], m_top, (((1,), (0,)), ((), ())),
                       preferred_element_type=jnp.float32)
       + lax.dot_general(wg_ref[:, hh:], m_bot, (((1,), (0,)), ((), ())),
                         preferred_element_type=jnp.float32))
  g = jnp.maximum(g + bg_ref[...], 0.0)
  y = lax.dot_general(wc_ref[...], g, (((1,), (0,)), ((), ())),
                      preferred_element_type=jnp.float32)
  y_ref[...] = y + bc_ref[...]




def kernel(x, edge_index, W1, b1, Wg, bg, Wc, bc):
  N, D = x.shape
  H = W1.shape[0]
  OUT = Wc.shape[0]
  E = edge_index.shape[1]
  NC, NS = 2, 16
  NW = NC * NS

  cnt, pk = _make_deg(E, N, NC, NS)(edge_index.reshape(2 * E))

  BN = 512
  grid_a = (pl.cdiv(N, BN),)
  dis2d, hp = pl.pallas_call(
      _ka_body,
      grid=grid_a,
      in_specs=[
          pl.BlockSpec((BN, D), lambda j: (j, 0)),
          pl.BlockSpec((H, D), lambda j: (0, 0)),
          pl.BlockSpec((H, 1), lambda j: (0, 0)),
          pl.BlockSpec((NW, BN), lambda j: (0, j)),
      ],
      out_specs=[
          pl.BlockSpec((1, BN), lambda j: (0, j)),
          pl.BlockSpec((H // 2, BN), lambda j: (0, j)),
      ],
      out_shape=[
          jax.ShapeDtypeStruct((1, N), jnp.float32),
          jax.ShapeDtypeStruct((H // 2, N), jnp.int32),
      ],
  )(x, W1, b1.reshape(H, 1), cnt)

  C = 16000
  accT_flat = _make_scatter(E, N, H, NC, NS, C)(
      hp.reshape((H // 2) * N), pk)
  accT = accT_flat.reshape(H, N)

  grid_b = (pl.cdiv(N, BN),)
  y2d = pl.pallas_call(
      _kb_body,
      grid=grid_b,
      in_specs=[
          pl.BlockSpec((H, BN), lambda j: (0, j)),
          pl.BlockSpec((H // 2, BN), lambda j: (0, j)),
          pl.BlockSpec((1, BN), lambda j: (0, j)),
          pl.BlockSpec((H, H), lambda j: (0, 0)),
          pl.BlockSpec((H, 1), lambda j: (0, 0)),
          pl.BlockSpec((OUT, H), lambda j: (0, 0)),
          pl.BlockSpec((OUT, 1), lambda j: (0, 0)),
      ],
      out_specs=pl.BlockSpec((OUT, BN), lambda j: (0, j)),
      out_shape=jax.ShapeDtypeStruct((OUT, N), jnp.float32),
  )(accT, hp, dis2d, Wg, bg.reshape(H, 1), Wc, bc.reshape(OUT, 1))

  return jnp.squeeze(y2d.T)

# --- scband reference (transcript-rebuilt; emitter-appended) ---
"""Pipeline reference for scband-kanguard-30193620091068 (READ-ONLY COPY).

The authoritative reference and input builder live on the scoring server;
editing this copy changes nothing except your own understanding.
"""

import jax, jax.numpy as jnp
import numpy as np

N = 10000
E = 320000
D = 128
H = 128
OUT = 1


def setup_inputs(seed: int = 0) -> dict:
    key = jax.random.key(seed)
    ks = jax.random.split(key, 8)
    x = jax.random.normal(ks[0], (N, D), dtype=jnp.float32)
    edge_index = jax.random.randint(ks[1], (2, E), 0, N, dtype=jnp.int32).astype(jnp.int32)
    # KANLayer linear: W1 [H, D], b1 [H]
    W1 = jax.random.normal(ks[2], (H, D), dtype=jnp.float32) * (1.0 / np.sqrt(D))
    b1 = jnp.zeros((H,), dtype=jnp.float32)
    # GCNConv: Wg [H, H] (lin, no bias), bg [H] (post-aggregation bias)
    Wg = jax.random.normal(ks[3], (H, H), dtype=jnp.float32) * (1.0 / np.sqrt(H))
    bg = jnp.zeros((H,), dtype=jnp.float32)
    # classifier: Wc [OUT, H], bc [OUT]
    Wc = jax.random.normal(ks[4], (OUT, H), dtype=jnp.float32) * (1.0 / np.sqrt(H))
    bc = jnp.zeros((OUT,), dtype=jnp.float32)
    return {"x": x, "edge_index": edge_index, "W1": W1, "b1": b1, "Wg": Wg, "bg": bg, "Wc": Wc, "bc": bc}


def _gcn_conv(h, edge_index, Wg, bg):
    # PyG GCNConv semantics: add self-loops, symmetric normalization,
    # h' = D^{-1/2} (A + I) D^{-1/2} h Wg^T + bg
    n = h.shape[0]
    loop = jnp.arange(n, dtype=edge_index.dtype)
    src = jnp.concatenate([edge_index[0], loop])
    dst = jnp.concatenate([edge_index[1], loop])
    hl = h @ Wg.T
    ones = jnp.ones(src.shape[0], dtype=hl.dtype)
    deg = jax.ops.segment_sum(ones, dst, num_segments=n)
    dis = jnp.where(deg > 0, 1.0 / jnp.sqrt(jnp.where(deg > 0, deg, 1.0)), 0.0)
    norm = dis[src] * dis[dst]
    msg = hl[src] * norm[:, None]
    out = jax.ops.segment_sum(msg, dst, num_segments=n)
    return out + bg


def reference(x, edge_index, W1, b1, Wg, bg, Wc, bc):
    # KANLayer: sin(Linear(x))
    h = jnp.sin(x @ W1.T + b1)
    # GCNConv + relu
    g = jax.nn.relu(_gcn_conv(h, edge_index, Wg, bg))
    # classifier + squeeze
    y = g @ Wc.T + bc
    return jnp.squeeze(y)

if __name__ == "__main__":
    import jax
    _d = setup_inputs()
    print(jax.jit(kernel)(*tuple(_d.values())))

</pallas_src>

<mosaic_0001>
#map = affine_map<(d0, d1) -> (0)>
module attributes {stable_mosaic.version = 14 : i64} {
  func.func @scat_kernel(%arg0: i32, %arg1: i32, %arg2: memref<640000xi32, #tpu.memory_space<hbm>>, %arg3: memref<320000xi32, #tpu.memory_space<hbm>>, %arg4: memref<1280000xf32, #tpu.memory_space<hbm>>, %arg5: memref<20000xi32, #tpu.memory_space<vmem>>, %arg6: memref<40000xf32, #tpu.memory_space<vmem>>, %arg7: memref<16000xi32, #tpu.memory_space<vmem>>, %arg8: memref<16000xi32, #tpu.memory_space<vmem>>, %arg9: memref<!tpu.dma_semaphore, #tpu.memory_space<semaphore_mem>>, %arg10: memref<!tpu.dma_semaphore, #tpu.memory_space<semaphore_mem>>) attributes {dimension_semantics = [#tpu.dimension_semantics<core_parallel>, #tpu.dimension_semantics<subcore_parallel>], iteration_bounds = array<i64: 2, 16>, scalar_prefetch = 0 : i64, scratch_operands = 6 : i64, tpu.core_type = #tpu.core_type<sc_vector_subcore>, window_params = [{transform_indices = #map}, {transform_indices = #map}, {transform_indices = #map}]} {
    %mul3A = arith.constant 2 : i32
    %mul3A_0 = arith.muli %arg1, %mul3A : i32
    %add3A = arith.addi %mul3A_0, %arg0 : i32
    %dma_start3A = arith.constant 0 : i32
    %dma_start3A_1 = tpu.memref_slice %arg3[%dma_start3A] : memref<320000xi32, #tpu.memory_space<hbm>> -> memref<16000xi32, #tpu.memory_space<hbm>>
    %dma_start3A_2 = arith.constant 0 : i32
    %dma_start3A_3 = tpu.memref_slice %arg3[%dma_start3A_2] : memref<320000xi32, #tpu.memory_space<hbm>> -> memref<16000xi32, #tpu.memory_space<hbm>>
    tpu.enqueue_dma source(%dma_start3A_3 : memref<16000xi32, #tpu.memory_space<hbm>>) target(%arg7 : memref<16000xi32, #tpu.memory_space<vmem>>) target_semaphore(%arg9 : memref<!tpu.dma_semaphore, #tpu.memory_space<semaphore_mem>>)
    %mul3A_4 = arith.constant 20000 : i32
    %mul3A_5 = arith.muli %add3A, %mul3A_4 : i32
    "tpu.region"() ({
      %run_scoped3A = tpu.sem_alloc : memref<!tpu.dma_semaphore, #tpu.memory_space<semaphore_mem>>
      %dma_start3A_27 = tpu.memref_slice %arg2[%mul3A_5] : memref<640000xi32, #tpu.memory_space<hbm>> -> memref<20000xi32, #tpu.memory_space<hbm>>
      %dma_start3A_28 = tpu.memref_slice %arg2[%mul3A_5] : memref<640000xi32, #tpu.memory_space<hbm>> -> memref<20000xi32, #tpu.memory_space<hbm>>
      tpu.enqueue_dma source(%dma_start3A_28 : memref<20000xi32, #tpu.memory_space<hbm>>) target(%arg5 : memref<20000xi32, #tpu.memory_space<vmem>>) target_semaphore(%run_scoped3A : memref<!tpu.dma_semaphore, #tpu.memory_space<semaphore_mem>>)
      %dma_wait3A_29 = tpu.memref_slice %arg2[%mul3A_5] : memref<640000xi32, #tpu.memory_space<hbm>> -> memref<20000xi32, #tpu.memory_space<hbm>>
      %dma_wait3A_30 = tpu.memref_slice %arg2[%mul3A_5] : memref<640000xi32, #tpu.memory_space<hbm>> -> memref<20000xi32, #tpu.memory_space<hbm>>
      tpu.wait_dma2 semaphore(%run_scoped3A : memref<!tpu.dma_semaphore, #tpu.memory_space<semaphore_mem>>) src(%dma_wait3A_30 : memref<20000xi32, #tpu.memory_space<hbm>>) dst(%arg5 : memref<20000xi32, #tpu.memory_space<vmem>>)
      tpu.yield
    }) : () -> ()
    %broadcast_in_dim3A = arith.constant 0.000000e+00 : f32
    %broadcast_in_dim3A_6 = vector.broadcast %broadcast_in_dim3A : f32 to vector<16xf32>
    %parallel_loop3A = arith.constant 0 : i32
    %parallel_loop3A_7 = arith.constant 2500 : i32
    %parallel_loop3A_8 = arith.constant 1 : i32
    scf.for %parallel_loop3A_27 = %parallel_loop3A to %parallel_loop3A_7 step %parallel_loop3A_8  : i32 {
      %parallel_loop3A_28 = arith.constant 16 : i32
      %parallel_loop3A_29 = arith.muli %parallel_loop3A_27, %parallel_loop3A_28 : i32
      %parallel_loop3A_30 = arith.index_cast %parallel_loop3A_29 : i32 to index
      %parallel_loop3A_31 = tpu.vector_load %arg6[%parallel_loop3A_30] {strides = array<i32>} : memref<40000xf32, #tpu.memory_space<vmem>>, vector<16xf32>,
      tpu.vector_store %arg6[%parallel_loop3A_30], %broadcast_in_dim3A_6 {strides = array<i32>} : memref<40000xf32, #tpu.memory_space<vmem>>, vector<16xf32>,
    } {sc.loop_unroll_factor = 8 : i64, sc.parallel_access}
    %broadcast_in_dim3A_9 = arith.constant -65536 : i32
    %broadcast_in_dim3A_10 = vector.broadcast %broadcast_in_dim3A_9 : i32 to vector<16xi32>
    %broadcast_in_dim3A_11 = arith.constant 16383 : i32
    %broadcast_in_dim3A_12 = vector.broadcast %broadcast_in_dim3A_11 : i32 to vector<16xi32>
    %scan3A = arith.constant 0 : i32
    %scan3A_13 = arith.constant 0 : i32
    %scan3A_14 = arith.constant 10 : i32
    %scan3A_15 = arith.addi %scan3A_13, %scan3A_14 : i32
    %scan3A_16 = arith.constant 1 : i32
    scf.for %scan3A_27 = %scan3A_13 to %scan3A_15 step %scan3A_16  : i32 {
      %mul3A_28 = arith.constant 2 : i32
      %mul3A_29 = arith.muli %mul3A_28, %scan3A_27 : i32
      %add3A_30 = arith.constant 1 : i32
      %add3A_31 = arith.addi %mul3A_29, %add3A_30 : i32
      %mul3A_32 = arith.constant 16000 : i32
      %mul3A_33 = arith.muli %add3A_31, %mul3A_32 : i32
      %dma_start3A_34 = tpu.memref_slice %arg3[%mul3A_33] : memref<320000xi32, #tpu.memory_space<hbm>> -> memref<16000xi32, #tpu.memory_space<hbm>>
      %dma_start3A_35 = tpu.memref_slice %arg3[%mul3A_33] : memref<320000xi32, #tpu.memory_space<hbm>> -> memref<16000xi32, #tpu.memory_space<hbm>>
      tpu.enqueue_dma source(%dma_start3A_35 : memref<16000xi32, #tpu.memory_space<hbm>>) target(%arg8 : memref<16000xi32, #tpu.memory_space<vmem>>) target_semaphore(%arg10 : memref<!tpu.dma_semaphore, #tpu.memory_space<semaphore_mem>>)
      %dma_wait3A_36 = arith.constant 0 : i32
      %dma_wait3A_37 = tpu.memref_slice %arg3[%dma_wait3A_36] : memref<320000xi32, #tpu.memory_space<hbm>> -> memref<16000xi32, #tpu.memory_space<hbm>>
      %dma_wait3A_38 = arith.constant 0 : i32
      %dma_wait3A_39 = tpu.memref_slice %arg3[%dma_wait3A_38] : memref<320000xi32, #tpu.memory_space<hbm>> -> memref<16000xi32, #tpu.memory_space<hbm>>
      tpu.wait_dma2 semaphore(%arg9 : memref<!tpu.dma_semaphore, #tpu.memory_space<semaphore_mem>>) src(%dma_wait3A_39 : memref<16000xi32, #tpu.memory_space<hbm>>) dst(%arg7 : memref<16000xi32, #tpu.memory_space<vmem>>)
      %parallel_loop3A_40 = arith.constant 0 : i32
      %parallel_loop3A_41 = arith.constant 1000 : i32
      %parallel_loop3A_42 = arith.constant 1 : i32
      scf.for %parallel_loop3A_57 = %parallel_loop3A_40 to %parallel_loop3A_41 step %parallel_loop3A_42  : i32 {
        %parallel_loop3A_58 = arith.constant 16 : i32
        %parallel_loop3A_59 = arith.muli %parallel_loop3A_57, %parallel_loop3A_58 : i32
        %parallel_loop3A_60 = arith.index_cast %parallel_loop3A_59 : i32 to index
        %parallel_loop3A_61 = tpu.vector_load %arg7[%parallel_loop3A_60] {strides = array<i32>} : memref<16000xi32, #tpu.memory_space<vmem>>, vector<16xi32>,
        %parallel_loop3A_62 = arith.constant 14 : i32
        %parallel_loop3A_63 = vector.broadcast %parallel_loop3A_62 : i32 to vector<16xi32>
        %parallel_loop3A_64 = arith.shrsi %parallel_loop3A_61, %parallel_loop3A_63 : vector<16xi32>
        %parallel_loop3A_65 = arith.andi %parallel_loop3A_61, %broadcast_in_dim3A_12 : vector<16xi32>
        %parallel_loop3A_66 = arith.constant 0 : i32
        %parallel_loop3A_67 = vector.broadcast %parallel_loop3A_66 : i32 to vector<16xi32>
        %parallel_loop3A_68 = arith.addi %parallel_loop3A_64, %parallel_loop3A_67 : vector<16xi32>
        %parallel_loop3A_69 = tpu.vector_load_idx %arg5[%parallel_loop3A_68] : memref<20000xi32, #tpu.memory_space<vmem>>[vector<16xi32>], vector<16xi32>,
        %parallel_loop3A_70 = arith.andi %parallel_loop3A_69, %broadcast_in_dim3A_10 : vector<16xi32>
        %parallel_loop3A_71 = vector.bitcast %parallel_loop3A_70 : vector<16xi32> to vector<16xf32>
        %parallel_loop3A_72 = arith.constant 16 : i32
        %parallel_loop3A_73 = vector.broadcast %parallel_loop3A_72 : i32 to vector<16xi32>
        %parallel_loop3A_74 = arith.shli %parallel_loop3A_69, %parallel_loop3A_73 : vector<16xi32>
        %parallel_loop3A_75 = vector.bitcast %parallel_loop3A_74 : vector<16xi32> to vector<16xf32>
        %parallel_loop3A_76 = arith.constant 0 : i32
        %parallel_loop3A_77 = vector.broadcast %parallel_loop3A_76 : i32 to vector<16xi32>
        %parallel_loop3A_78 = arith.addi %parallel_loop3A_65, %parallel_loop3A_77 : vector<16xi32>
        tpu.vector_store_idx %arg6[%parallel_loop3A_78], %parallel_loop3A_71 {add = true} : memref<40000xf32, #tpu.memory_space<vmem>>[vector<16xi32>], vector<16xf32>,
        %parallel_loop3A_79 = arith.constant 20000 : i32
        %parallel_loop3A_80 = vector.broadcast %parallel_loop3A_79 : i32 to vector<16xi32>
        %parallel_loop3A_81 = arith.addi %parallel_loop3A_65, %parallel_loop3A_80 : vector<16xi32>
        tpu.vector_store_idx %arg6[%parallel_loop3A_81], %parallel_loop3A_75 {add = true} : memref<40000xf32, #tpu.memory_space<vmem>>[vector<16xi32>], vector<16xf32>,
        %parallel_loop3A_82 = arith.constant 10000 : i32
        %parallel_loop3A_83 = vector.broadcast %parallel_loop3A_82 : i32 to vector<16xi32>
        %parallel_loop3A_84 = arith.addi %parallel_loop3A_64, %parallel_loop3A_83 : vector<16xi32>
        %parallel_loop3A_85 = tpu.vector_load_idx %arg5[%parallel_loop3A_84] : memref<20000xi32, #tpu.memory_space<vmem>>[vector<16xi32>], vector<16xi32>,
        %parallel_loop3A_86 = arith.andi %parallel_loop3A_85, %broadcast_in_dim3A_10 : vector<16xi32>
        %parallel_loop3A_87 = vector.bitcast %parallel_loop3A_86 : vector<16xi32> to vector<16xf32>
        %parallel_loop3A_88 = arith.constant 16 : i32
        %parallel_loop3A_89 = vector.broadcast %parallel_loop3A_88 : i32 to vector<16xi32>
        %parallel_loop3A_90 = arith.shli %parallel_loop3A_85, %parallel_loop3A_89 : vector<16xi32>
        %parallel_loop3A_91 = vector.bitcast %parallel_loop3A_90 : vector<16xi32> to vector<16xf32>
        %parallel_loop3A_92 = arith.constant 10000 : i32
        %parallel_loop3A_93 = vector.broadcast %parallel_loop3A_92 : i32 to vector<16xi32>
        %parallel_loop3A_94 = arith.addi %parallel_loop3A_65, %parallel_loop3A_93 : vector<16xi32>
        tpu.vector_store_idx %arg6[%parallel_loop3A_94], %parallel_loop3A_87 {add = true} : memref<40000xf32, #tpu.memory_space<vmem>>[vector<16xi32>], vector<16xf32>,
        %parallel_loop3A_95 = arith.constant 30000 : i32
        %parallel_loop3A_96 = vector.broadcast %parallel_loop3A_95 : i32 to vector<16xi32>
        %parallel_loop3A_97 = arith.addi %parallel_loop3A_65, %parallel_loop3A_96 : vector<16xi32>
        tpu.vector_store_idx %arg6[%parallel_loop3A_97], %parallel_loop3A_91 {add = true} : memref<40000xf32, #tpu.memory_space<vmem>>[vector<16xi32>], vector<16xf32>,
      } {sc.loop_unroll_factor = 1 : i64, sc.parallel_access}
      %add3A_43 = arith.constant 2 : i32
      %add3A_44 = arith.addi %mul3A_29, %add3A_43 : i32
      %rem3A = arith.constant 20 : i32
      %rem3A_45 = arith.remsi %add3A_44, %rem3A : i32
      %mul3A_46 = arith.constant 16000 : i32
      %mul3A_47 = arith.muli %rem3A_45, %mul3A_46 : i32
      %dma_start3A_48 = tpu.memref_slice %arg3[%mul3A_47] : memref<320000xi32, #tpu.memory_space<hbm>> -> memref<16000xi32, #tpu.memory_space<hbm>>
      %dma_start3A_49 = tpu.memref_slice %arg3[%mul3A_47] : memref<320000xi32, #tpu.memory_space<hbm>> -> memref<16000xi32, #tpu.memory_space<hbm>>
      tpu.enqueue_dma source(%dma_start3A_49 : memref<16000xi32, #tpu.memory_space<hbm>>) target(%arg7 : memref<16000xi32, #tpu.memory_space<vmem>>) target_semaphore(%arg9 : memref<!tpu.dma_semaphore, #tpu.memory_space<semaphore_mem>>)
      %dma_wait3A_50 = arith.constant 0 : i32
      %dma_wait3A_51 = tpu.memref_slice %arg3[%dma_wait3A_50] : memref<320000xi32, #tpu.memory_space<hbm>> -> memref<16000xi32, #tpu.memory_space<hbm>>
      %dma_wait3A_52 = arith.constant 0 : i32
      %dma_wait3A_53 = tpu.memref_slice %arg3[%dma_wait3A_52] : memref<320000xi32, #tpu.memory_space<hbm>> -> memref<16000xi32, #tpu.memory_space<hbm>>
      tpu.wait_dma2 semaphore(%arg10 : memref<!tpu.dma_semaphore, #tpu.memory_space<semaphore_mem>>) src(%dma_wait3A_53 : memref<16000xi32, #tpu.memory_space<hbm>>) dst(%arg8 : memref<16000xi32, #tpu.memory_space<vmem>>)
      %parallel_loop3A_54 = arith.constant 0 : i32
      %parallel_loop3A_55 = arith.constant 1000 : i32
      %parallel_loop3A_56 = arith.constant 1 : i32
      scf.for %parallel_loop3A_57 = %parallel_loop3A_54 to %parallel_loop3A_55 step %parallel_loop3A_56  : i32 {
        %parallel_loop3A_58 = arith.constant 16 : i32
        %parallel_loop3A_59 = arith.muli %parallel_loop3A_57, %parallel_loop3A_58 : i32
        %parallel_loop3A_60 = arith.index_cast %parallel_loop3A_59 : i32 to index
        %parallel_loop3A_61 = tpu.vector_load %arg8[%parallel_loop3A_60] {strides = array<i32>} : memref<16000xi32, #tpu.memory_space<vmem>>, vector<16xi32>,
        %parallel_loop3A_62 = arith.constant 14 : i32
        %parallel_loop3A_63 = vector.broadcast %parallel_loop3A_62 : i32 to vector<16xi32>
        %parallel_loop3A_64 = arith.shrsi %parallel_loop3A_61, %parallel_loop3A_63 : vector<16xi32>
        %parallel_loop3A_65 = arith.andi %parallel_loop3A_61, %broadcast_in_dim3A_12 : vector<16xi32>
        %parallel_loop3A_66 = arith.constant 0 : i32
        %parallel_loop3A_67 = vector.broadcast %parallel_loop3A_66 : i32 to vector<16xi32>
        %parallel_loop3A_68 = arith.addi %parallel_loop3A_64, %parallel_loop3A_67 : vector<16xi32>
        %parallel_loop3A_69 = tpu.vector_load_idx %arg5[%parallel_loop3A_68] : memref<20000xi32, #tpu.memory_space<vmem>>[vector<16xi32>], vector<16xi32>,
        %parallel_loop3A_70 = arith.andi %parallel_loop3A_69, %broadcast_in_dim3A_10 : vector<16xi32>
        %parallel_loop3A_71 = vector.bitcast %parallel_loop3A_70 : vector<16xi32> to vector<16xf32>
        %parallel_loop3A_72 = arith.constant 16 : i32
        %parallel_loop3A_73 = vector.broadcast %parallel_loop3A_72 : i32 to vector<16xi32>
        %parallel_loop3A_74 = arith.shli %parallel_loop3A_69, %parallel_loop3A_73 : vector<16xi32>
        %parallel_loop3A_75 = vector.bitcast %parallel_loop3A_74 : vector<16xi32> to vector<16xf32>
        %parallel_loop3A_76 = arith.constant 0 : i32
        %parallel_loop3A_77 = vector.broadcast %parallel_loop3A_76 : i32 to vector<16xi32>
        %parallel_loop3A_78 = arith.addi %parallel_loop3A_65, %parallel_loop3A_77 : vector<16xi32>
        tpu.vector_store_idx %arg6[%parallel_loop3A_78], %parallel_loop3A_71 {add = true} : memref<40000xf32, #tpu.memory_space<vmem>>[vector<16xi32>], vector<16xf32>,
        %parallel_loop3A_79 = arith.constant 20000 : i32
        %parallel_loop3A_80 = vector.broadcast %parallel_loop3A_79 : i32 to vector<16xi32>
        %parallel_loop3A_81 = arith.addi %parallel_loop3A_65, %parallel_loop3A_80 : vector<16xi32>
        tpu.vector_store_idx %arg6[%parallel_loop3A_81], %parallel_loop3A_75 {add = true} : memref<40000xf32, #tpu.memory_space<vmem>>[vector<16xi32>], vector<16xf32>,
        %parallel_loop3A_82 = arith.constant 10000 : i32
        %parallel_loop3A_83 = vector.broadcast %parallel_loop3A_82 : i32 to vector<16xi32>
        %parallel_loop3A_84 = arith.addi %parallel_loop3A_64, %parallel_loop3A_83 : vector<16xi32>
        %parallel_loop3A_85 = tpu.vector_load_idx %arg5[%parallel_loop3A_84] : memref<20000xi32, #tpu.memory_space<vmem>>[vector<16xi32>], vector<16xi32>,
        %parallel_loop3A_86 = arith.andi %parallel_loop3A_85, %broadcast_in_dim3A_10 : vector<16xi32>
        %parallel_loop3A_87 = vector.bitcast %parallel_loop3A_86 : vector<16xi32> to vector<16xf32>
        %parallel_loop3A_88 = arith.constant 16 : i32
        %parallel_loop3A_89 = vector.broadcast %parallel_loop3A_88 : i32 to vector<16xi32>
        %parallel_loop3A_90 = arith.shli %parallel_loop3A_85, %parallel_loop3A_89 : vector<16xi32>
        %parallel_loop3A_91 = vector.bitcast %parallel_loop3A_90 : vector<16xi32> to vector<16xf32>
        %parallel_loop3A_92 = arith.constant 10000 : i32
        %parallel_loop3A_93 = vector.broadcast %parallel_loop3A_92 : i32 to vector<16xi32>
        %parallel_loop3A_94 = arith.addi %parallel_loop3A_65, %parallel_loop3A_93 : vector<16xi32>
        tpu.vector_store_idx %arg6[%parallel_loop3A_94], %parallel_loop3A_87 {add = true} : memref<40000xf32, #tpu.memory_space<vmem>>[vector<16xi32>], vector<16xf32>,
        %parallel_loop3A_95 = arith.constant 30000 : i32
        %parallel_loop3A_96 = vector.broadcast %parallel_loop3A_95 : i32 to vector<16xi32>
        %parallel_loop3A_97 = arith.addi %parallel_loop3A_65, %parallel_loop3A_96 : vector<16xi32>
        tpu.vector_store_idx %arg6[%parallel_loop3A_97], %parallel_loop3A_91 {add = true} : memref<40000xf32, #tpu.memory_space<vmem>>[vector<16xi32>], vector<16xf32>,
      } {sc.loop_unroll_factor = 1 : i64, sc.parallel_access}
    }
    %scan3A_17 = arith.constant 10 : i32
    %dma_wait3A = arith.constant 0 : i32
    %dma_wait3A_18 = tpu.memref_slice %arg3[%dma_wait3A] : memref<320000xi32, #tpu.memory_space<hbm>> -> memref<16000xi32, #tpu.memory_space<hbm>>
    %dma_wait3A_19 = arith.constant 0 : i32
    %dma_wait3A_20 = tpu.memref_slice %arg3[%dma_wait3A_19] : memref<320000xi32, #tpu.memory_space<hbm>> -> memref<16000xi32, #tpu.memory_space<hbm>>
    tpu.wait_dma2 semaphore(%arg9 : memref<!tpu.dma_semaphore, #tpu.memory_space<semaphore_mem>>) src(%dma_wait3A_20 : memref<16000xi32, #tpu.memory_space<hbm>>) dst(%arg7 : memref<16000xi32, #tpu.memory_space<vmem>>)
    %mul3A_21 = arith.constant 20000 : i32
    %mul3A_22 = arith.muli %add3A, %mul3A_21 : i32
    "tpu.region"() ({
      %run_scoped3A = tpu.sem_alloc : memref<!tpu.dma_semaphore, #tpu.memory_space<semaphore_mem>>
      %dma_start3A_27 = arith.constant 0 : i32
      %dma_start3A_28 = tpu.memref_slice %arg6[%dma_start3A_27] : memref<40000xf32, #tpu.memory_space<vmem>> -> memref<20000xf32, #tpu.memory_space<vmem>>
      %dma_start3A_29 = tpu.memref_slice %arg4[%mul3A_22] : memref<1280000xf32, #tpu.memory_space<hbm>> -> memref<20000xf32, #tpu.memory_space<hbm>>
      %dma_start3A_30 = tpu.memref_slice %arg4[%mul3A_22] : memref<1280000xf32, #tpu.memory_space<hbm>> -> memref<20000xf32, #tpu.memory_space<hbm>>
      %dma_start3A_31 = arith.constant 0 : i32
      %dma_start3A_32 = tpu.memref_slice %arg6[%dma_start3A_31] : memref<40000xf32, #tpu.memory_space<vmem>> -> memref<20000xf32, #tpu.memory_space<vmem>>
      tpu.enqueue_dma source(%dma_start3A_32 : memref<20000xf32, #tpu.memory_space<vmem>>) target(%dma_start3A_30 : memref<20000xf32, #tpu.memory_space<hbm>>) target_semaphore(%run_scoped3A : memref<!tpu.dma_semaphore, #tpu.memory_space<semaphore_mem>>)
      %dma_wait3A_33 = arith.constant 0 : i32
      %dma_wait3A_34 = tpu.memref_slice %arg6[%dma_wait3A_33] : memref<40000xf32, #tpu.memory_space<vmem>> -> memref<20000xf32, #tpu.memory_space<vmem>>
      %dma_wait3A_35 = tpu.memref_slice %arg4[%mul3A_22] : memref<1280000xf32, #tpu.memory_space<hbm>> -> memref<20000xf32, #tpu.memory_space<hbm>>
      %dma_wait3A_36 = tpu.memref_slice %arg4[%mul3A_22] : memref<1280000xf32, #tpu.memory_space<hbm>> -> memref<20000xf32, #tpu.memory_space<hbm>>
      %dma_wait3A_37 = arith.constant 0 : i32
      %dma_wait3A_38 = tpu.memref_slice %arg6[%dma_wait3A_37] : memref<40000xf32, #tpu.memory_space<vmem>> -> memref<20000xf32, #tpu.memory_space<vmem>>
      tpu.wait_dma2 semaphore(%run_scoped3A : memref<!tpu.dma_semaphore, #tpu.memory_space<semaphore_mem>>) src(%dma_wait3A_38 : memref<20000xf32, #tpu.memory_space<vmem>>) dst(%dma_wait3A_36 : memref<20000xf32, #tpu.memory_space<hbm>>)
      tpu.yield
    }) : () -> ()
    %add3A_23 = arith.constant 32 : i32
    %add3A_24 = arith.addi %add3A_23, %add3A : i32
    %mul3A_25 = arith.constant 20000 : i32
    %mul3A_26 = arith.muli %add3A_24, %mul3A_25 : i32
    "tpu.region"() ({
      %run_scoped3A = tpu.sem_alloc : memref<!tpu.dma_semaphore, #tpu.memory_space<semaphore_mem>>
      %dma_start3A_27 = arith.constant 20000 : i32
      %dma_start3A_28 = tpu.memref_slice %arg6[%dma_start3A_27] : memref<40000xf32, #tpu.memory_space<vmem>> -> memref<20000xf32, #tpu.memory_space<vmem>>
      %dma_start3A_29 = tpu.memref_slice %arg4[%mul3A_26] : memref<1280000xf32, #tpu.memory_space<hbm>> -> memref<20000xf32, #tpu.memory_space<hbm>>
      %dma_start3A_30 = tpu.memref_slice %arg4[%mul3A_26] : memref<1280000xf32, #tpu.memory_space<hbm>> -> memref<20000xf32, #tpu.memory_space<hbm>>
      %dma_start3A_31 = arith.constant 20000 : i32
      %dma_start3A_32 = tpu.memref_slice %arg6[%dma_start3A_31] : memref<40000xf32, #tpu.memory_space<vmem>> -> memref<20000xf32, #tpu.memory_space<vmem>>
      tpu.enqueue_dma source(%dma_start3A_32 : memref<20000xf32, #tpu.memory_space<vmem>>) target(%dma_start3A_30 : memref<20000xf32, #tpu.memory_space<hbm>>) target_semaphore(%run_scoped3A : memref<!tpu.dma_semaphore, #tpu.memory_space<semaphore_mem>>)
      %dma_wait3A_33 = arith.constant 20000 : i32
      %dma_wait3A_34 = tpu.memref_slice %arg6[%dma_wait3A_33] : memref<40000xf32, #tpu.memory_space<vmem>> -> memref<20000xf32, #tpu.memory_space<vmem>>
      %dma_wait3A_35 = tpu.memref_slice %arg4[%mul3A_26] : memref<1280000xf32, #tpu.memory_space<hbm>> -> memref<20000xf32, #tpu.memory_space<hbm>>
      %dma_wait3A_36 = tpu.memref_slice %arg4[%mul3A_26] : memref<1280000xf32, #tpu.memory_space<hbm>> -> memref<20000xf32, #tpu.memory_space<hbm>>
      %dma_wait3A_37 = arith.constant 20000 : i32
      %dma_wait3A_38 = tpu.memref_slice %arg6[%dma_wait3A_37] : memref<40000xf32, #tpu.memory_space<vmem>> -> memref<20000xf32, #tpu.memory_space<vmem>>
      tpu.wait_dma2 semaphore(%run_scoped3A : memref<!tpu.dma_semaphore, #tpu.memory_space<semaphore_mem>>) src(%dma_wait3A_38 : memref<20000xf32, #tpu.memory_space<vmem>>) dst(%dma_wait3A_36 : memref<20000xf32, #tpu.memory_space<hbm>>)
      tpu.yield
    }) : () -> ()
    return
  }
}

#map = affine_map<(d0, d1) -> (0)>
#map1 = affine_map<(d0, d1) -> (0, 0)>
module attributes {stable_mosaic.version = 14 : i64} {
  func.func @deg_kernel(%arg0: i32, %arg1: i32, %arg2: memref<640000xi32, #tpu.memory_space<hbm>>, %arg3: memref<32x10000xf32, #tpu.memory_space<hbm>>, %arg4: memref<320000xi32, #tpu.memory_space<hbm>>, %arg5: memref<10000xi32, #tpu.memory_space<vmem>>, %arg6: memref<10000xi32, #tpu.memory_space<vmem>>, %arg7: memref<10000xi32, #tpu.memory_space<vmem>>, %arg8: memref<10000xf32, #tpu.memory_space<vmem>>) attributes {dimension_semantics = [#tpu.dimension_semantics<core_parallel>, #tpu.dimension_semantics<subcore_parallel>], iteration_bounds = array<i64: 2, 16>, scalar_prefetch = 0 : i64, scratch_operands = 4 : i64, tpu.core_type = #tpu.core_type<sc_vector_subcore>, window_params = [{transform_indices = #map}, {transform_indices = #map1}, {transform_indices = #map}]} {
    %mul3A = arith.constant 2 : i32
    %mul3A_0 = arith.muli %arg1, %mul3A : i32
    %add3A = arith.addi %mul3A_0, %arg0 : i32
    %mul3A_1 = arith.constant 10000 : i32
    %mul3A_2 = arith.muli %add3A, %mul3A_1 : i32
    "tpu.region"() ({
      %run_scoped3A = tpu.sem_alloc : memref<!tpu.dma_semaphore, #tpu.memory_space<semaphore_mem>>
      %dma_start3A = tpu.memref_slice %arg2[%mul3A_2] : memref<640000xi32, #tpu.memory_space<hbm>> -> memref<10000xi32, #tpu.memory_space<hbm>>
      %dma_start3A_17 = tpu.memref_slice %arg2[%mul3A_2] : memref<640000xi32, #tpu.memory_space<hbm>> -> memref<10000xi32, #tpu.memory_space<hbm>>
      tpu.enqueue_dma source(%dma_start3A_17 : memref<10000xi32, #tpu.memory_space<hbm>>) target(%arg5 : memref<10000xi32, #tpu.memory_space<vmem>>) target_semaphore(%run_scoped3A : memref<!tpu.dma_semaphore, #tpu.memory_space<semaphore_mem>>)
      %dma_wait3A = tpu.memref_slice %arg2[%mul3A_2] : memref<640000xi32, #tpu.memory_space<hbm>> -> memref<10000xi32, #tpu.memory_space<hbm>>
      %dma_wait3A_18 = tpu.memref_slice %arg2[%mul3A_2] : memref<640000xi32, #tpu.memory_space<hbm>> -> memref<10000xi32, #tpu.memory_space<hbm>>
      tpu.wait_dma2 semaphore(%run_scoped3A : memref<!tpu.dma_semaphore, #tpu.memory_space<semaphore_mem>>) src(%dma_wait3A_18 : memref<10000xi32, #tpu.memory_space<hbm>>) dst(%arg5 : memref<10000xi32, #tpu.memory_space<vmem>>)
      tpu.yield
    }) : () -> ()
    %mul3A_3 = arith.constant 10000 : i32
    %mul3A_4 = arith.muli %add3A, %mul3A_3 : i32
    %add3A_5 = arith.constant 320000 : i32
    %add3A_6 = arith.addi %add3A_5, %mul3A_4 : i32
    "tpu.region"() ({
      %run_scoped3A = tpu.sem_alloc : memref<!tpu.dma_semaphore, #tpu.memory_space<semaphore_mem>>
      %dma_start3A = tpu.memref_slice %arg2[%add3A_6] : memref<640000xi32, #tpu.memory_space<hbm>> -> memref<10000xi32, #tpu.memory_space<hbm>>
      %dma_start3A_17 = tpu.memref_slice %arg2[%add3A_6] : memref<640000xi32, #tpu.memory_space<hbm>> -> memref<10000xi32, #tpu.memory_space<hbm>>
      tpu.enqueue_dma source(%dma_start3A_17 : memref<10000xi32, #tpu.memory_space<hbm>>) target(%arg6 : memref<10000xi32, #tpu.memory_space<vmem>>) target_semaphore(%run_scoped3A : memref<!tpu.dma_semaphore, #tpu.memory_space<semaphore_mem>>)
      %dma_wait3A = tpu.memref_slice %arg2[%add3A_6] : memref<640000xi32, #tpu.memory_space<hbm>> -> memref<10000xi32, #tpu.memory_space<hbm>>
      %dma_wait3A_18 = tpu.memref_slice %arg2[%add3A_6] : memref<640000xi32, #tpu.memory_space<hbm>> -> memref<10000xi32, #tpu.memory_space<hbm>>
      tpu.wait_dma2 semaphore(%run_scoped3A : memref<!tpu.dma_semaphore, #tpu.memory_space<semaphore_mem>>) src(%dma_wait3A_18 : memref<10000xi32, #tpu.memory_space<hbm>>) dst(%arg6 : memref<10000xi32, #tpu.memory_space<vmem>>)
      tpu.yield
    }) : () -> ()
    %broadcast_in_dim3A = arith.constant 0.000000e+00 : f32
    %broadcast_in_dim3A_7 = vector.broadcast %broadcast_in_dim3A : f32 to vector<16xf32>
    %parallel_loop3A = arith.constant 0 : i32
    %parallel_loop3A_8 = arith.constant 625 : i32
    %parallel_loop3A_9 = arith.constant 1 : i32
    scf.for %parallel_loop3A_17 = %parallel_loop3A to %parallel_loop3A_8 step %parallel_loop3A_9  : i32 {
      %parallel_loop3A_18 = arith.constant 16 : i32
      %parallel_loop3A_19 = arith.muli %parallel_loop3A_17, %parallel_loop3A_18 : i32
      %parallel_loop3A_20 = arith.index_cast %parallel_loop3A_19 : i32 to index
      %parallel_loop3A_21 = tpu.vector_load %arg8[%parallel_loop3A_20] {strides = array<i32>} : memref<10000xf32, #tpu.memory_space<vmem>>, vector<16xf32>,
      tpu.vector_store %arg8[%parallel_loop3A_20], %broadcast_in_dim3A_7 {strides = array<i32>} : memref<10000xf32, #tpu.memory_space<vmem>>, vector<16xf32>,
    } {sc.loop_unroll_factor = 8 : i64, sc.parallel_access}
    %broadcast_in_dim3A_10 = arith.constant 1.000000e+00 : f32
    %broadcast_in_dim3A_11 = vector.broadcast %broadcast_in_dim3A_10 : f32 to vector<16xf32>
    %parallel_loop3A_12 = arith.constant 0 : i32
    %parallel_loop3A_13 = arith.constant 625 : i32
    %parallel_loop3A_14 = arith.constant 1 : i32
    scf.for %parallel_loop3A_17 = %parallel_loop3A_12 to %parallel_loop3A_13 step %parallel_loop3A_14  : i32 {
      %parallel_loop3A_18 = arith.constant 16 : i32
      %parallel_loop3A_19 = arith.muli %parallel_loop3A_17, %parallel_loop3A_18 : i32
      %parallel_loop3A_20 = arith.index_cast %parallel_loop3A_19 : i32 to index
      %parallel_loop3A_21 = tpu.vector_load %arg5[%parallel_loop3A_20] {strides = array<i32>} : memref<10000xi32, #tpu.memory_space<vmem>>, vector<16xi32>,
      %parallel_loop3A_22 = arith.constant 16 : i32
      %parallel_loop3A_23 = arith.muli %parallel_loop3A_17, %parallel_loop3A_22 : i32
      %parallel_loop3A_24 = arith.index_cast %parallel_loop3A_23 : i32 to index
      %parallel_loop3A_25 = tpu.vector_load %arg6[%parallel_loop3A_24] {strides = array<i32>} : memref<10000xi32, #tpu.memory_space<vmem>>, vector<16xi32>,
      %parallel_loop3A_26 = arith.constant 14 : i32
      %parallel_loop3A_27 = vector.broadcast %parallel_loop3A_26 : i32 to vector<16xi32>
      %parallel_loop3A_28 = arith.shli %parallel_loop3A_21, %parallel_loop3A_27 : vector<16xi32>
      %parallel_loop3A_29 = arith.ori %parallel_loop3A_28, %parallel_loop3A_25 : vector<16xi32>
      %parallel_loop3A_30 = arith.constant 16 : i32
      %parallel_loop3A_31 = arith.muli %parallel_loop3A_17, %parallel_loop3A_30 : i32
      %parallel_loop3A_32 = arith.index_cast %parallel_loop3A_31 : i32 to index
      %parallel_loop3A_33 = tpu.vector_load %arg7[%parallel_loop3A_32] {strides = array<i32>} : memref<10000xi32, #tpu.memory_space<vmem>>, vector<16xi32>,
      tpu.vector_store %arg7[%parallel_loop3A_32], %parallel_loop3A_29 {strides = array<i32>} : memref<10000xi32, #tpu.memory_space<vmem>>, vector<16xi32>,
      tpu.vector_store_idx %arg8[%parallel_loop3A_25], %broadcast_in_dim3A_11 {add = true} : memref<10000xf32, #tpu.memory_space<vmem>>[vector<16xi32>], vector<16xf32>,
    } {sc.loop_unroll_factor = 8 : i64, sc.parallel_access}
    "tpu.region"() ({
      %run_scoped3A = tpu.sem_alloc : memref<!tpu.dma_semaphore, #tpu.memory_space<semaphore_mem>>
      %dma_start3A = arith.constant 0 : i32
      %dma_start3A_17 = tpu.memref_slice %arg3[%add3A, %dma_start3A] : memref<32x10000xf32, #tpu.memory_space<hbm>> -> memref<1x10000xf32, #tpu.memory_space<hbm>>
      %dma_start3A_18 = tpu.memref_squeeze %dma_start3A_17 : memref<1x10000xf32, #tpu.memory_space<hbm>> -> memref<10000xf32, #tpu.memory_space<hbm>>
      %dma_start3A_19 = arith.constant 0 : i32
      %dma_start3A_20 = tpu.memref_slice %arg3[%add3A, %dma_start3A_19] : memref<32x10000xf32, #tpu.memory_space<hbm>> -> memref<1x10000xf32, #tpu.memory_space<hbm>>
      %dma_start3A_21 = tpu.memref_squeeze %dma_start3A_20 : memref<1x10000xf32, #tpu.memory_space<hbm>> -> memref<10000xf32, #tpu.memory_space<hbm>>
      tpu.enqueue_dma source(%arg8 : memref<10000xf32, #tpu.memory_space<vmem>>) target(%dma_start3A_21 : memref<10000xf32, #tpu.memory_space<hbm>>) target_semaphore(%run_scoped3A : memref<!tpu.dma_semaphore, #tpu.memory_space<semaphore_mem>>)
      %dma_wait3A = arith.constant 0 : i32
      %dma_wait3A_22 = tpu.memref_slice %arg3[%add3A, %dma_wait3A] : memref<32x10000xf32, #tpu.memory_space<hbm>> -> memref<1x10000xf32, #tpu.memory_space<hbm>>
      %dma_wait3A_23 = tpu.memref_squeeze %dma_wait3A_22 : memref<1x10000xf32, #tpu.memory_space<hbm>> -> memref<10000xf32, #tpu.memory_space<hbm>>
      %dma_wait3A_24 = arith.constant 0 : i32
      %dma_wait3A_25 = tpu.memref_slice %arg3[%add3A, %dma_wait3A_24] : memref<32x10000xf32, #tpu.memory_space<hbm>> -> memref<1x10000xf32, #tpu.memory_space<hbm>>
      %dma_wait3A_26 = tpu.memref_squeeze %dma_wait3A_25 : memref<1x10000xf32, #tpu.memory_space<hbm>> -> memref<10000xf32, #tpu.memory_space<hbm>>
      tpu.wait_dma2 semaphore(%run_scoped3A : memref<!tpu.dma_semaphore, #tpu.memory_space<semaphore_mem>>) src(%arg8 : memref<10000xf32, #tpu.memory_space<vmem>>) dst(%dma_wait3A_26 : memref<10000xf32, #tpu.memory_space<hbm>>)
      tpu.yield
    }) : () -> ()
    %mul3A_15 = arith.constant 10000 : i32
    %mul3A_16 = arith.muli %add3A, %mul3A_15 : i32
    "tpu.region"() ({
      %run_scoped3A = tpu.sem_alloc : memref<!tpu.dma_semaphore, #tpu.memory_space<semaphore_mem>>
      %dma_start3A = tpu.memref_slice %arg4[%mul3A_16] : memref<320000xi32, #tpu.memory_space<hbm>> -> memref<10000xi32, #tpu.memory_space<hbm>>
      %dma_start3A_17 = tpu.memref_slice %arg4[%mul3A_16] : memref<320000xi32, #tpu.memory_space<hbm>> -> memref<10000xi32, #tpu.memory_space<hbm>>
      tpu.enqueue_dma source(%arg7 : memref<10000xi32, #tpu.memory_space<vmem>>) target(%dma_start3A_17 : memref<10000xi32, #tpu.memory_space<hbm>>) target_semaphore(%run_scoped3A : memref<!tpu.dma_semaphore, #tpu.memory_space<semaphore_mem>>)
      %dma_wait3A = tpu.memref_slice %arg4[%mul3A_16] : memref<320000xi32, #tpu.memory_space<hbm>> -> memref<10000xi32, #tpu.memory_space<hbm>>
      %dma_wait3A_18 = tpu.memref_slice %arg4[%mul3A_16] : memref<320000xi32, #tpu.memory_space<hbm>> -> memref<10000xi32, #tpu.memory_space<hbm>>
      tpu.wait_dma2 semaphore(%run_scoped3A : memref<!tpu.dma_semaphore, #tpu.memory_space<semaphore_mem>>) src(%arg7 : memref<10000xi32, #tpu.memory_space<vmem>>) dst(%dma_wait3A_18 : memref<10000xi32, #tpu.memory_space<hbm>>)
      tpu.yield
    }) : () -> ()
    return
  }
}

module attributes {stable_mosaic.version = 14 : i64} {
  func.func @_ka_body(%arg0: i32, %arg1: memref<512x128xf32, #tpu.memory_space<vmem>>, %arg2: memref<128x128xf32, #tpu.memory_space<vmem>>, %arg3: memref<128x1xf32, #tpu.memory_space<vmem>>, %arg4: memref<32x512xf32, #tpu.memory_space<vmem>>, %arg5: memref<1x512xf32, #tpu.memory_space<vmem>>, %arg6: memref<64x512xi32, #tpu.memory_space<vmem>>) attributes {dimension_semantics = [#tpu.dimension_semantics<arbitrary>], iteration_bounds = array<i64: 20>, scalar_prefetch = 0 : i64, scratch_operands = 0 : i64, tpu.core_type = #tpu.core_type<tc>, window_params = [{transform_indices = @transform_0, window_bounds = array<i64: 512, 128>}, {pipeline_mode = #tpu.pipeline_mode<synchronous>, transform_indices = @transform_1, window_bounds = array<i64: 128, 128>}, {pipeline_mode = #tpu.pipeline_mode<synchronous>, transform_indices = @transform_2, window_bounds = array<i64: 128, 1>}, {transform_indices = @transform_3, window_bounds = array<i64: 32, 512>}, {transform_indices = @transform_4, window_bounds = array<i64: 1, 512>}, {transform_indices = @transform_5, window_bounds = array<i64: 64, 512>}]} {
    %get3A = arith.constant 0 : index
    %get3A_0 = arith.constant 0 : index
    %get3A_1 = vector.load %arg2[%get3A, %get3A_0] : memref<128x128xf32, #tpu.memory_space<vmem>>, vector<128x128xf32>
    %get3A_2 = arith.constant 0 : index
    %get3A_3 = arith.constant 0 : index
    %get3A_4 = vector.load %arg1[%get3A_2, %get3A_3] : memref<512x128xf32, #tpu.memory_space<vmem>>, vector<512x128xf32>
    %dot_general3A = arith.constant dense<0.000000e+00> : vector<128x512xf32>
    %dot_general3A_5 = tpu.matmul %get3A_1, %get3A_4, %dot_general3A {dimension_numbers = #tpu.dot_dimension_numbers<[1], [1], [0], [0], [0, 0, 1, 0], [], []>, transpose_lhs_hint = false} : vector<128x128xf32>, vector<512x128xf32>, vector<128x512xf32> -> vector<128x512xf32>
    %get3A_6 = arith.constant 0 : index
    %get3A_7 = arith.constant 0 : index
    %get3A_8 = vector.load %arg4[%get3A_6, %get3A_7] : memref<32x512xf32, #tpu.memory_space<vmem>>, vector<32x512xf32>
    %reduce_sum3A = arith.constant dense<0.000000e+00> : vector<512xf32>
    %reduce_sum3A_9 = vector.multi_reduction <add>, %get3A_8, %reduce_sum3A [0] : vector<32x512xf32> to vector<512xf32>
    %broadcast_in_dim3A = vector.shape_cast %reduce_sum3A_9 : vector<512xf32> to vector<1x512xf32>
    %add3A = arith.constant 1.000000e+00 : f32
    %add3A_10 = vector.broadcast %add3A : f32 to vector<1x512xf32>
    %add3A_11 = arith.addf %broadcast_in_dim3A, %add3A_10 : vector<1x512xf32>
    %rsqrt3A = math.rsqrt %add3A_11 : vector<1x512xf32>
    %swap3A = arith.constant 0 : index
    %swap3A_12 = arith.constant 0 : index
    %swap3A_13 = vector.load %arg5[%swap3A, %swap3A_12] : memref<1x512xf32, #tpu.memory_space<vmem>>, vector<1x512xf32>
    tpu.vector_store %arg5[%swap3A, %swap3A_12], %rsqrt3A {strides = array<i32>} : memref<1x512xf32, #tpu.memory_space<vmem>>, vector<1x512xf32>,
    %get3A_14 = arith.constant 0 : index
    %get3A_15 = arith.constant 0 : index
    %get3A_16 = vector.load %arg3[%get3A_14, %get3A_15] : memref<128x1xf32, #tpu.memory_space<vmem>>, vector<128x1xf32>
    %add3A_17 = vector.broadcast %get3A_16 : vector<128x1xf32> to vector<128x512xf32>
    %add3A_18 = arith.addf %dot_general3A_5, %add3A_17 : vector<128x512xf32>
    %sin3A = math.sin %add3A_18 : vector<128x512xf32>
    %mul3A = vector.broadcast %rsqrt3A : vector<1x512xf32> to vector<128x512xf32>
    %mul3A_19 = arith.mulf %sin3A, %mul3A : vector<128x512xf32>
    %slice3A = vector.extract_strided_slice %mul3A_19 {offsets = [0, 0], sizes = [64, 512], strides = [1, 1]} : vector<128x512xf32> to vector<64x512xf32>
    %convert_element_type3A = arith.truncf %slice3A : vector<64x512xf32> to vector<64x512xbf16>
    %bitcast_convert_type3A = tpu.bitcast %convert_element_type3A : vector<64x512xbf16> -> vector<64x512xi16>
    %convert_element_type3A_20 = arith.extui %bitcast_convert_type3A : vector<64x512xi16> to vector<64x512xi32>
    %slice3A_21 = vector.extract_strided_slice %mul3A_19 {offsets = [64, 0], sizes = [64, 512], strides = [1, 1]} : vector<128x512xf32> to vector<64x512xf32>
    %convert_element_type3A_22 = arith.truncf %slice3A_21 : vector<64x512xf32> to vector<64x512xbf16>
    %bitcast_convert_type3A_23 = tpu.bitcast %convert_element_type3A_22 : vector<64x512xbf16> -> vector<64x512xi16>
    %convert_element_type3A_24 = arith.extui %bitcast_convert_type3A_23 : vector<64x512xi16> to vector<64x512xi32>
    %shift_left3A = arith.constant 16 : i32
    %shift_left3A_25 = vector.broadcast %shift_left3A : i32 to vector<64x512xi32>
    %shift_left3A_26 = arith.shli %convert_element_type3A_20, %shift_left3A_25 : vector<64x512xi32>
    %or3A = arith.ori %shift_left3A_26, %convert_element_type3A_24 : vector<64x512xi32>
    %bitcast_convert_type3A_27 = tpu.bitcast %or3A : vector<64x512xi32> -> vector<64x512xi32>
    %swap3A_28 = arith.constant 0 : index
    %swap3A_29 = arith.constant 0 : index
    %swap3A_30 = vector.load %arg6[%swap3A_28, %swap3A_29] : memref<64x512xi32, #tpu.memory_space<vmem>>, vector<64x512xi32>
    tpu.vector_store %arg6[%swap3A_28, %swap3A_29], %bitcast_convert_type3A_27 {strides = array<i32>} : memref<64x512xi32, #tpu.memory_space<vmem>>, vector<64x512xi32>,
    return
  }
  func.func @transform_0(%arg0: i32) -> (i32, i32) {
    %c0_i32 = arith.constant 0 : i32
    %c0_i32_0 = arith.constant 0 : i32
    return %arg0, %c0_i32 : i32, i32
  }
  func.func @transform_1(%arg0: i32) -> (i32, i32) {
    %c0_i32 = arith.constant 0 : i32
    %c0_i32_0 = arith.constant 0 : i32
    %c0_i32_1 = arith.constant 0 : i32
    return %c0_i32, %c0_i32_0 : i32, i32
  }
  func.func @transform_2(%arg0: i32) -> (i32, i32) {
    %c0_i32 = arith.constant 0 : i32
    %c0_i32_0 = arith.constant 0 : i32
    %c0_i32_1 = arith.constant 0 : i32
    return %c0_i32, %c0_i32_0 : i32, i32
  }
  func.func @transform_3(%arg0: i32) -> (i32, i32) {
    %c0_i32 = arith.constant 0 : i32
    %c0_i32_0 = arith.constant 0 : i32
    return %c0_i32, %arg0 : i32, i32
  }
  func.func @transform_4(%arg0: i32) -> (i32, i32) {
    %c0_i32 = arith.constant 0 : i32
    %c0_i32_0 = arith.constant 0 : i32
    return %c0_i32, %arg0 : i32, i32
  }
  func.func @transform_5(%arg0: i32) -> (i32, i32) {
    %c0_i32 = arith.constant 0 : i32
    %c0_i32_0 = arith.constant 0 : i32
    return %c0_i32, %arg0 : i32, i32
  }
}

module attributes {stable_mosaic.version = 14 : i64} {
  func.func @_kb_body(%arg0: i32, %arg1: memref<128x512xf32, #tpu.memory_space<vmem>>, %arg2: memref<64x512xi32, #tpu.memory_space<vmem>>, %arg3: memref<1x512xf32, #tpu.memory_space<vmem>>, %arg4: memref<128x128xf32, #tpu.memory_space<vmem>>, %arg5: memref<128x1xf32, #tpu.memory_space<vmem>>, %arg6: memref<1x128xf32, #tpu.memory_space<vmem>>, %arg7: memref<1x1xf32, #tpu.memory_space<vmem>>, %arg8: memref<1x512xf32, #tpu.memory_space<vmem>>) attributes {dimension_semantics = [#tpu.dimension_semantics<arbitrary>], iteration_bounds = array<i64: 20>, scalar_prefetch = 0 : i64, scratch_operands = 0 : i64, tpu.core_type = #tpu.core_type<tc>, window_params = [{transform_indices = @transform_0, window_bounds = array<i64: 128, 512>}, {transform_indices = @transform_1, window_bounds = array<i64: 64, 512>}, {transform_indices = @transform_2, window_bounds = array<i64: 1, 512>}, {pipeline_mode = #tpu.pipeline_mode<synchronous>, transform_indices = @transform_3, window_bounds = array<i64: 128, 128>}, {pipeline_mode = #tpu.pipeline_mode<synchronous>, transform_indices = @transform_4, window_bounds = array<i64: 128, 1>}, {pipeline_mode = #tpu.pipeline_mode<synchronous>, transform_indices = @transform_5, window_bounds = array<i64: 1, 128>}, {pipeline_mode = #tpu.pipeline_mode<synchronous>, transform_indices = @transform_6, window_bounds = array<i64: 1, 1>}, {transform_indices = @transform_7, window_bounds = array<i64: 1, 512>}]} {
    %get3A = arith.constant 0 : index
    %get3A_0 = arith.constant 0 : index
    %get3A_1 = vector.load %arg3[%get3A, %get3A_0] : memref<1x512xf32, #tpu.memory_space<vmem>>, vector<1x512xf32>
    %get3A_2 = arith.constant 0 : index
    %get3A_3 = arith.constant 0 : index
    %get3A_4 = vector.load %arg2[%get3A_2, %get3A_3] : memref<64x512xi32, #tpu.memory_space<vmem>>, vector<64x512xi32>
    %bitcast_convert_type3A = tpu.bitcast %get3A_4 : vector<64x512xi32> -> vector<64x512xi32>
    %and3A = arith.constant -65536 : i32
    %and3A_5 = vector.broadcast %and3A : i32 to vector<64x512xi32>
    %and3A_6 = arith.andi %bitcast_convert_type3A, %and3A_5 : vector<64x512xi32>
    %bitcast_convert_type3A_7 = tpu.bitcast %and3A_6 : vector<64x512xi32> -> vector<64x512xf32>
    %shift_left3A = arith.constant 16 : i32
    %shift_left3A_8 = vector.broadcast %shift_left3A : i32 to vector<64x512xi32>
    %shift_left3A_9 = arith.shli %bitcast_convert_type3A, %shift_left3A_8 : vector<64x512xi32>
    %bitcast_convert_type3A_10 = tpu.bitcast %shift_left3A_9 : vector<64x512xi32> -> vector<64x512xf32>
    %get3A_11 = arith.constant 0 : index
    %get3A_12 = arith.constant 0 : index
    %get3A_13 = vector.load %arg1[%get3A_11, %get3A_12] : memref<128x512xf32, #tpu.memory_space<vmem>>, vector<64x512xf32>
    %add3A = arith.addf %get3A_13, %bitcast_convert_type3A_7 : vector<64x512xf32>
    %mul3A = vector.broadcast %get3A_1 : vector<1x512xf32> to vector<64x512xf32>
    %mul3A_14 = arith.mulf %add3A, %mul3A : vector<64x512xf32>
    %get3A_15 = arith.constant 64 : index
    %get3A_16 = arith.constant 0 : index
    %get3A_17 = vector.load %arg1[%get3A_15, %get3A_16] : memref<128x512xf32, #tpu.memory_space<vmem>>, vector<64x512xf32>
    %add3A_18 = arith.addf %get3A_17, %bitcast_convert_type3A_10 : vector<64x512xf32>
    %mul3A_19 = vector.broadcast %get3A_1 : vector<1x512xf32> to vector<64x512xf32>
    %mul3A_20 = arith.mulf %add3A_18, %mul3A_19 : vector<64x512xf32>
    %get3A_21 = arith.constant 0 : index
    %get3A_22 = arith.constant 0 : index
    %get3A_23 = vector.load %arg4[%get3A_21, %get3A_22] : memref<128x128xf32, #tpu.memory_space<vmem>>, vector<128x64xf32>
    %dot_general3A = arith.constant dense<0.000000e+00> : vector<128x512xf32>
    %dot_general3A_24 = tpu.matmul %get3A_23, %mul3A_14, %dot_general3A {dimension_numbers = #tpu.dot_dimension_numbers<[1], [0], [0], [1], [0, 0, 1, 1], [], []>, transpose_lhs_hint = false} : vector<128x64xf32>, vector<64x512xf32>, vector<128x512xf32> -> vector<128x512xf32>
    %get3A_25 = arith.constant 0 : index
    %get3A_26 = arith.constant 64 : index
    %get3A_27 = vector.load %arg4[%get3A_25, %get3A_26] : memref<128x128xf32, #tpu.memory_space<vmem>>, vector<128x64xf32>
    %dot_general3A_28 = arith.constant dense<0.000000e+00> : vector<128x512xf32>
    %dot_general3A_29 = tpu.matmul %get3A_27, %mul3A_20, %dot_general3A_28 {dimension_numbers = #tpu.dot_dimension_numbers<[1], [0], [0], [1], [0, 0, 1, 1], [], []>, transpose_lhs_hint = false} : vector<128x64xf32>, vector<64x512xf32>, vector<128x512xf32> -> vector<128x512xf32>
    %add3A_30 = arith.addf %dot_general3A_24, %dot_general3A_29 : vector<128x512xf32>
    %get3A_31 = arith.constant 0 : index
    %get3A_32 = arith.constant 0 : index
    %get3A_33 = vector.load %arg5[%get3A_31, %get3A_32] : memref<128x1xf32, #tpu.memory_space<vmem>>, vector<128x1xf32>
    %add3A_34 = vector.broadcast %get3A_33 : vector<128x1xf32> to vector<128x512xf32>
    %add3A_35 = arith.addf %add3A_30, %add3A_34 : vector<128x512xf32>
    %max3A = arith.constant 0.000000e+00 : f32
    %max3A_36 = vector.broadcast %max3A : f32 to vector<128x512xf32>
    %max3A_37 = arith.maximumf %add3A_35, %max3A_36 : vector<128x512xf32>
    %get3A_38 = arith.constant 0 : index
    %get3A_39 = arith.constant 0 : index
    %get3A_40 = vector.load %arg6[%get3A_38, %get3A_39] : memref<1x128xf32, #tpu.memory_space<vmem>>, vector<1x128xf32>
    %dot_general3A_41 = arith.constant dense<0.000000e+00> : vector<1x512xf32>
    %dot_general3A_42 = tpu.matmul %get3A_40, %max3A_37, %dot_general3A_41 {dimension_numbers = #tpu.dot_dimension_numbers<[1], [0], [0], [1], [0, 0, 1, 1], [], []>, transpose_lhs_hint = false} : vector<1x128xf32>, vector<128x512xf32>, vector<1x512xf32> -> vector<1x512xf32>
    %get3A_43 = arith.constant 0 : index
    %get3A_44 = arith.constant 0 : index
    %get3A_45 = vector.load %arg7[%get3A_43, %get3A_44] : memref<1x1xf32, #tpu.memory_space<vmem>>, vector<1x1xf32>
    %add3A_46 = vector.broadcast %get3A_45 : vector<1x1xf32> to vector<1x512xf32>
    %add3A_47 = arith.addf %dot_general3A_42, %add3A_46 : vector<1x512xf32>
    %swap3A = arith.constant 0 : index
    %swap3A_48 = arith.constant 0 : index
    %swap3A_49 = vector.load %arg8[%swap3A, %swap3A_48] : memref<1x512xf32, #tpu.memory_space<vmem>>, vector<1x512xf32>
    tpu.vector_store %arg8[%swap3A, %swap3A_48], %add3A_47 {strides = array<i32>} : memref<1x512xf32, #tpu.memory_space<vmem>>, vector<1x512xf32>,
    return
  }
  func.func @transform_0(%arg0: i32) -> (i32, i32) {
    %c0_i32 = arith.constant 0 : i32
    %c0_i32_0 = arith.constant 0 : i32
    return %c0_i32, %arg0 : i32, i32
  }
  func.func @transform_1(%arg0: i32) -> (i32, i32) {
    %c0_i32 = arith.constant 0 : i32
    %c0_i32_0 = arith.constant 0 : i32
    return %c0_i32, %arg0 : i32, i32
  }
  func.func @transform_2(%arg0: i32) -> (i32, i32) {
    %c0_i32 = arith.constant 0 : i32
    %c0_i32_0 = arith.constant 0 : i32
    return %c0_i32, %arg0 : i32, i32
  }
  func.func @transform_3(%arg0: i32) -> (i32, i32) {
    %c0_i32 = arith.constant 0 : i32
    %c0_i32_0 = arith.constant 0 : i32
    %c0_i32_1 = arith.constant 0 : i32
    return %c0_i32, %c0_i32_0 : i32, i32
  }
  func.func @transform_4(%arg0: i32) -> (i32, i32) {
    %c0_i32 = arith.constant 0 : i32
    %c0_i32_0 = arith.constant 0 : i32
    %c0_i32_1 = arith.constant 0 : i32
    return %c0_i32, %c0_i32_0 : i32, i32
  }
  func.func @transform_5(%arg0: i32) -> (i32, i32) {
    %c0_i32 = arith.constant 0 : i32
    %c0_i32_0 = arith.constant 0 : i32
    %c0_i32_1 = arith.constant 0 : i32
    return %c0_i32, %c0_i32_0 : i32, i32
  }
  func.func @transform_6(%arg0: i32) -> (i32, i32) {
    %c0_i32 = arith.constant 0 : i32
    %c0_i32_0 = arith.constant 0 : i32
    %c0_i32_1 = arith.constant 0 : i32
    return %c0_i32, %c0_i32_0 : i32, i32
  }
  func.func @transform_7(%arg0: i32) -> (i32, i32) {
    %c0_i32 = arith.constant 0 : i32
    %c0_i32_0 = arith.constant 0 : i32
    return %c0_i32, %arg0 : i32, i32
  }
}

</mosaic_0001>

<sc_bundles>
// kernel: kernel.6.cloned.1.call-start
scs
__scs_entry_jumppad:
0x0: {  	(pc) =	sbr.rel $0x88, $3  }
0x1: {  	(tag) =	ssettag $0x0;
	lr =	simm.s32 $0x1  }
0x2: {  	[smem:$0x3F99] =	sst lr;
	_ =	strace $0xD0000000  }
0x3: {  	_ = 	snop  }
0x4: {  	_ = 	snop  }
0x5: {  	_ = 	snop  }
0x6: {  	_ = 	snop  }
0x7: {  	_ = 	snop  }
__scs_overlays_trampoline_lowered:
0x8: {  	[smem:$0x3FA8] =	sst s0  }
0x9: {  	[smem:$0x3FA9] =	sst s1  }
0xa: {  	[smem:$0x3FAA] =	sst s2  }
0xb: {  	[smem:$0x3FAB] =	sst s3  }
0xc: {  	[smem:$0x3FAC] =	sst s4  }
0xd: {  	[smem:$0x3FAD] =	sst s5  }
0xe: {  	[smem:$0x3FAE] =	sst s6  }
0xf: {  	[smem:$0x3FAF] =	sst s7  }
0x10: {  	[smem:$0x3FB0] =	sst s8  }
0x11: {  	[smem:$0x3FB1] =	sst s9;
	s0 =	simm.s32 @!p0 $0x0  }
0x12: {  	s1 =	sld [smem:$0x3F97];
	s0 =	simm.s32 @p0 $0x1  }
0x13: {  	[smem:$0x3FB2] =	sst s0;
	s0 =	simm.s32 @!p1 $0x0  }
0x14: {  	s2 =	sld [smem:$0x3F96];
	s0 =	simm.s32 @p1 $0x1  }
0x15: {  	[smem:$0x3FB3] =	sst s0;
	s0 =	simm.s32 @!p2 $0x0  }
0x16: {  	s3 =	sld [smem:$0x3FDB];
	s0 =	simm.s32 @p2 $0x1  }
0x17: {  	s4 =	simm.s32 $0x1BF5;
	[smem:$0x3FB5] =	sst s0  }
0x18: {  	s0 =	sld [smem:$0x3F98];
	_ =	swait.ge [sflag:s4], $0x0  }
0x19: {  	s7 =	sld [smem:$0x3F99]  }
0x1a: {  	s8 =	sadd.s32 $0xFFFFE003, lr  }
0x1b: {  	s9 =	sadd.s32 $0xFFFFFEF7, lr;
	s5 =	simm.s32 $0xFFFFFFFF;
	p2 =	slt.u32 s8, $0xFFFFF086  }
0x1c: {  	p1 =	slt.u32 s9, $0xF7A;
	s5 =	simm.s32 @!p2 $0x0  }
0x1d: {  	s5 =	simm.s32 @p1 $0x1;
	p0 =	seq.s32 s7, s2  }
0x1e: {  	s7 =	smul.u32 @!p0 $0xF7A, s2;
	p2 =	seq.s32 @!p0 s5, $0x0  }
0x1f: {  	s9 =	smul.u32 $0xF7A, s1;
	s8 =	simm.s32 @!p0 $0x1BF5;
	p2 =	por !p2, p0  }
0x20: {  	[sflag:s8] =	ssyncset.s32 @!p0 $0xFFFFF086;
	s6 =	sadd.s32 @!p0 s3, s7;
	s7 =	simm.s32 @!p0 $0x108  }
0x21: {  	s3 =	sadd.s32 s3, s9;
	s6 =	sadd.s32 @!p0 $0x88, s6;
	s7 =	simm.s32 @p2 $0x1082  }
0x22: {  	[simem:s7], [sflag:s8] =	dma.local @!p0 [hbm:s6], $0xF7A  }
0x23: {  	s9 =	sor.u32 $0xD0000000, s2;
	s6 =	simm.s32 $0x108;
	_ =	swait.ge @!p0 [sflag:s8], $0x0  }
0x24: {  	s3 =	sadd.s32 $0x88, s3;
	s6 =	simm.s32 @!p1 $0x1082;
	[sflag:s4] =	ssyncset.s32 $0xFFFFF086  }
0x25: {  	[simem:s6], [sflag:s4] =	dma.local [hbm:s3], $0xF7A  }
0x26: {  	[smem:$0x3F99] =	sst s1;
	(tag) =	ssettag s2;
	_ =	strace s9  }
0x27: {  	s1 =	sld [smem:$0x3FA9]  }
0x28: {  	s2 =	sld [smem:$0x3FAA]  }
0x29: {  	s4 =	sld [smem:$0x3FAC]  }
0x2a: {  	p0 =	seq.s32 s5, $0x0;
	s5 =	sld [smem:$0x3FAD]  }
0x2b: {  	s6 =	sld [smem:$0x3FAE]  }
0x2c: {  	s7 =	sld [smem:$0x3FAF]  }
0x2d: {  	s3 =	simm.s32 $0x108;
	s8 =	sld [smem:$0x3FB0]  }
0x2e: {  	s3 =	simm.s32 @!p0 $0x1082;
	s9 =	sld [smem:$0x3FB1]  }
0x2f: {  	lr =	sadd.s32 s0, s3;
	s0 =	sld [smem:$0x3FA8]  }
0x30: {  	s3 =	sld [smem:$0x3FAB]  }
0x31: {  	[smem:$0x3FB4] =	sst s10  }
0x32: {  	s10 =	sld [smem:$0x3FB2];
	_ =	sdelay $0x3  }
0x33: {  	p0 =	seq.s32 s10, $0x1;
	s10 =	sld [smem:$0x3FB4];
	_ =	sdelay $0x3  }
0x34: {  	[smem:$0x3FB4] =	sst s10  }
0x35: {  	s10 =	sld [smem:$0x3FB3];
	_ =	sdelay $0x3  }
0x36: {  	p1 =	seq.s32 s10, $0x1;
	s10 =	sld [smem:$0x3FB4];
	_ =	sdelay $0x3  }
0x37: {  	[smem:$0x3FB4] =	sst s10  }
0x38: {  	s10 =	sld [smem:$0x3FB5]  }
0x39: {  	_ = 	snop;
	(pc) =	sbr.ind lr, $3  }
0x3a: {  	_ = 	snop  }
0x3b: {  	_ = 	snop  }
0x3c: {  	p2 =	seq.s32 s10, $0x1;
	s10 =	sld [smem:$0x3FB4]  }
0x3d: {  	_ =	shalt  }
0x3e: {  	_ =	shalt  }
0x3f: {  	_ =	shalt  }
0x40: {  	_ =	shalt  }
0x41: {  	_ =	shalt  }
0x42: {  	_ =	shalt  }
0x43: {  	_ =	shalt  }
0x44: {  	_ =	shalt  }
0x45: {  	_ =	shalt  }
0x46: {  	_ =	shalt  }
0x47: {  	_ =	shalt  }
0x48: {  	_ =	shalt  }
0x49: {  	_ =	shalt  }
0x4a: {  	_ =	shalt  }
0x4b: {  	_ =	shalt  }
0x4c: {  	_ =	shalt  }
0x4d: {  	_ =	shalt  }
0x4e: {  	_ =	shalt  }
0x4f: {  	_ =	shalt  }
0x50: {  	_ =	shalt  }
0x51: {  	_ =	shalt  }
0x52: {  	_ =	shalt  }
0x53: {  	_ =	shalt  }
0x54: {  	_ =	shalt  }
0x55: {  	_ =	shalt  }
0x56: {  	_ =	shalt  }
0x57: {  	_ =	shalt  }
0x58: {  	_ =	shalt  }
0x59: {  	_ =	shalt  }
0x5a: {  	_ =	shalt  }
0x5b: {  	_ =	shalt  }
0x5c: {  	_ =	shalt  }
0x5d: {  	_ =	shalt  }
0x5e: {  	_ =	shalt  }
0x5f: {  	_ =	shalt  }
0x60: {  	_ =	shalt  }
0x61: {  	_ =	shalt  }
0x62: {  	_ =	shalt  }
0x63: {  	_ =	shalt  }
0x64: {  	_ =	shalt  }
0x65: {  	_ =	shalt  }
0x66: {  	_ =	shalt  }
0x67: {  	_ =	shalt  }
0x68: {  	_ =	shalt  }
0x69: {  	_ =	shalt  }
0x6a: {  	_ =	shalt  }
0x6b: {  	_ =	shalt  }
0x6c: {  	_ =	shalt  }
0x6d: {  	_ =	shalt  }
0x6e: {  	_ =	shalt  }
0x6f: {  	_ =	shalt  }
0x70: {  	_ =	shalt  }
0x71: {  	_ =	shalt  }
0x72: {  	_ =	shalt  }
0x73: {  	_ =	shalt  }
0x74: {  	_ =	shalt  }
0x75: {  	_ =	shalt  }
0x76: {  	_ =	shalt  }
0x77: {  	_ =	shalt  }
0x78: {  	_ =	shalt  }
0x79: {  	_ =	shalt  }
0x7a: {  	_ =	shalt  }
0x7b: {  	_ =	shalt  }
0x7c: {  	_ =	shalt  }
0x7d: {  	_ =	shalt  }
0x7e: {  	_ =	shalt  }
0x7f: {  	_ =	shalt  }
0x80: {  	_ =	shalt  }
0x81: {  	_ =	shalt  }
0x82: {  	_ =	shalt  }
0x83: {  	_ =	shalt  }
0x84: {  	_ =	shalt  }
0x85: {  	_ =	shalt  }
0x86: {  	_ =	shalt  }
0x87: {  	_ =	shalt  }
.Lfunc_end0:
.L_simem_size_0:
called_computation_lowered:
.L_overlay_start_0:
0x88: {  	s2 =	sld [smem:$0x3FD9]  }
0x89: {  	s3 =	sld [smem:$0x3FFE];
	_ =	sdelay $0x1  }
0x8a: {  	s1 =	srdreg.scid  }
0x8b: {  	s0 =	sand.u32 $0x1, s1  }
0x8c: {  	s16 =	sshll.u32 s0, $0xA;
	s2 =	sadd.s32 s3, s2  }
0x8d: {  	s2 =	sadd.s32 s2, s16  }
0x8e: {  	[smem:$0x3FC0] =	sst s2  }
0x8f: {  	_ = 	snop  }
0x90: {  	(tm) =	ssettm $0x1  }
0x91: {  	s17 =	sld [smem:$0x3FFB];
	_ =	sdelay $0x3  }
0x92: {  	_ =	strace s17  }
0x93: {  	s2 =	sld [smem:$0x3FFC];
	_ =	sdelay $0x3  }
0x94: {  	_ =	strace s2  }
0x95: {  	s2 =	sld [smem:$0x3FFD];
	_ =	sdelay $0x3  }
0x96: {  	_ =	strace s2  }
0x97: {  	_ =	strace $0x8FFFFFFF  }
0x98: {  	s18 =	sld [smem:$0x3FDB];
	_ =	sdelay $0x1  }
0x99: {  	s19 =	simm.s32 $_scs_section_size  }
0x9a: {  	s4 =	simm.s32 $_size__tile_overlayer_lowered;
	s5 =	simm.s32 $_tile_overlayer_lowered  }
0x9b: {  	s22 =	simm.s32 $0x1BFF;
	s21 =	sshll.u32 s5, $0x1;
	s2 =	sadd.s32 s19, s18  }
0x9c: {  	s6 =	simm.s32 $0x0;
	s20 =	sshll.u32 s4, $0x1;
	s4 =	sadd.s32 s21, s2  }
0x9d: {  	[timem:s6], [sflag:s22] =	dma.local [hbm:s4], s20  }
0x9e: {  	_ =	swait.ge [sflag:s22], s20  }
0x9f: {  	s3 =	ssub.s32 $0x0, s20;
	[sflag:s22] =	ssyncset.done $0x0  }
0xa0: {  	[sflag:s22] =	ssyncadd.s32 s3;
	_ =	sdelay $0x1  }
0xa1: {  	s23 =	simm.s32 $0x1B8B  }
0xa2: {  	_ =	swait.ge [sflag:s23], $0x1  }
0xa3: {  	[sflag:s23] =	ssyncset.done $0x0  }
0xa4: {  	s25 =	simm.s32 $0x1B8E;
	s24 =	sld [smem:$0x3FFE];
	[sflag:s23] =	ssyncadd.s32 $0xFFFFFFFF  }
0xa5: {  	s26 =	simm.s32 $execute0_lowered;
	[smem:$0x3FD2] =	sst s25  }
0xa6: {  	s4 =	sshll.u32 s26, $0x1;
	_ =	strace $0x80000046;
	[dreg:$0x1] =	wrdreg $0xFFFFFFFF  }
0xa7: {  	s28 =	simm.s32 $_size_execute0_lowered;
	s2 =	sadd.s32 s2, s4;
	[dreg:$0x0] =	wrdreg $0x0  }
0xa8: {  	s4 =	sshll.u32 s28, $0x1;
	[dreg:$0x2] =	wrdreg s2  }
0xa9: {  	[dreg:$0x3] =	wrdreg s4  }
0xaa: {  	[dreg:$0x4] =	wrdreg $0xC0  }
0xab: {  	_ =	task [dreg:s6], $0x5FFFF  }
0xac: {  	[dreg:$0x1] =	wrdreg $0xFFFFFFFF  }
0xad: {  	[dreg:$0x0] =	wrdreg $0x60  }
0xae: {  	[dreg:$0x2] =	wrdreg s24  }
0xaf: {  	[dreg:$0x3] =	wrdreg $0x9  }
0xb0: {  	_ =	task.clear_ibuf [dreg:s6], $0x4FFFF;
	_ =	strace $0x90000046  }
0xb1: {  	s29 =	simm.s32 $0x9;
	_ =	strace $0x80000048  }
0xb2: {  	_ =	swait.ge [sflag:s29], $0x1  }
0xb3: {  	[sflag:s29] =	ssyncadd.s32 $0xFFFFFFFF  }
0xb4: {  	_ =	strace $0x90000048  }
0xb5: {  	_ =	sfence  }
0xb6: {  	s30 =	sld [smem:$0x0];
	_ =	sdelay $0x2  }
0xb7: {  	s31 =	sshll.u32 s1, $0xD;
	s1 =	sshrl.u32 s1, $0x2  }
0xb8: {  	s3 =	sand.u32 $0x4000, s31;
	s1 =	sadd.s32 s1, s30  }
0xb9: {  	s0 =	sor.u32 s3, s0;
	s1 =	sshll.u32 s1, $0x11  }
0xba: {  	s0 =	sor.u32 s1, s0  }
0xbb: {  	s0 =	sadd.s32 $0x8F2B, s0  }
0xbc: {  	[sflag:s0] =	ssyncadd.remote.s32 $0x1  }
0xbd: {  	_ =	sfence.sel $0xFFFF  }
0xbe: {  	[dreg:$0x0] =	wrdreg $0xFFFFFFFF;
	(pc) =	sbr.abs _section_cstart, $3  }
0xbf: {  	[dreg:$0x1] =	wrdreg $0xFFFFFFFF  }
0xc0: {  	_ =	task.clear_ibuf [dreg:s6], $0x2FFFF;
	_ =	strace $0x9FFFFFFF  }
0xc1: {  	(tm) =	ssettm $0x7FFFFFFF  }
tec
execute0_lowered:
.L_overlay_start_1:
0x0: {  	(tag) =	ssettag $0x1  }
0x1: {  	s1 =	srdreg.scid;
	s0 =	stileid.u32  }
0x2: {  	s3 =	rddreg [dreg:$0x0];
	s9 =	simm.s32 $0x2780;
	s10 =	simm.s32 $0x7680  }
0x3: {  	s11 =	simm.s32 $0x80;
	s12 =	simm.s32 $0x400;
	s13 =	simm.s32 $0x4F00  }
0x4: {  	s14 =	simm.s32 $0x0;
	s4 =	sand.u32 $0x1, s1;
	s2 =	sshll.u32 s0, $0x1  }
0x5: {  	s1 =	rddreg [dreg:$0x1];
	s6 =	sshrl.u32 s0, $0x2;
	s5 =	sor.u32 s4, s2  }
0x6: {  	s2 =	simm.s32 $0x0;
	s6 =	smul.u32 $0x13C00, s6;
	s4 =	ssub.s32 $0x2, s4  }
0x7: {  	s7 =	sshll.u32 s5, $0x7;
	[smem:$0x7FF] =	sst s2;
	s5 =	smul.u32 $0x2710, s5  }
0x8: {  	s31 =	sshrl.u32 s4, $0x1;
	s7 =	sand.u32 $0x380, s7;
	_ =	strace $0x80000047  }
0x9: {  	s6 =	sor.u32 s6, s7;
	s5 =	sshrl.u32 s5, $0x3;
	s7 =	ssub.s32 s4, s31  }
0xa: {  	s6 =	sshrl.u32 s6, $0x3;
	s8 =	sadd.s32 s5, s3;
	s7 =	smax.u32 s7, $0x1  }
0xb: {  	s6 =	sadd.s32 s6, s3;
	s3 =	sadd.s32 $0x1E00, s8;
	s4 =	sadd.s32 $0xBA40, s8  }
0xc: {  	v0 =	vimm.f32 $0.0e+00;
	v1 =	vimm.f32 $1.000000000e+00;
	s5 =	sadd.s32 $0x15800, s6;
	s6 =	sadd.s32 $0x1F600, s8;
	s8 =	simm.s32 $0x1  }
.LBB2_1:
0xd: {  	[tilespmem:s2], [sflag:$0x1] =	stream.linear.gather [hbm4b:s3+s2], $0x2710, $0x38;
	[tilespmem:$0x9E00] =	vst v63  }
0xe: {  	_ =	swait.ge [sflag:s8], $0x2710  }
0xf: {  	[sflag:s8] =	ssyncset.done $0x0  }
0x10: {  	[sflag:s8] =	ssyncadd.s32 $0xFFFFD8F0  }
0x11: {  	[tilespmem:s9], [sflag:$0x1] =	stream.linear.gather [hbm4b:s4+s2], $0x2710, $0x38;
	[tilespmem:$0x9E00] =	vst v63  }
0x12: {  	_ =	swait.ge [sflag:s8], $0x2710  }
0x13: {  	[sflag:s8] =	ssyncset.done $0x0  }
0x14: {  	s15 =	simm.s32 $0x76C0;
	[sflag:s8] =	ssyncadd.s32 $0xFFFFD8F0  }
0x15: {  	[tilespmem:s15+$0xFFFFFFC0] =	vst v0  }
0x16: {  	[tilespmem:s15+$0x30] =	vst v0  }
0x17: {  	[tilespmem:s15+$0x20] =	vst v0  }
0x18: {  	[tilespmem:s15+$0x10] =	vst v0  }
0x19: {  	[tilespmem:s15+$0x0] =	vst v0  }
0x1a: {  	[tilespmem:s15+$0xFFFFFFF0] =	vst v0  }
0x1b: {  	s16 =	simm.s32 $0x0;
	[tilespmem:s15+$0xFFFFFFE0] =	vst v0  }
.LBB2_2:
0x1c: {  	s16 =	sadd.s32 $0x8, s16;
	[tilespmem:s15+$0xFFFFFFD0] =	vst v0;
	s15 =	sadd.s32 $0x80, s15  }
0x1d: {  	[tilespmem:s15+$0xFFFFFFC0] =	vst v0;
	p0 =	slt.u32 s16, $0x268  }
0x1e: {  	[tilespmem:s15+$0x30] =	vst v0  }
.Ltmp0:
0x1f: {  	[tilespmem:s15+$0x20] =	vst v0;
	(pc) =	sbr.rel @p0 .LBB2_2-.Ltmp0, $4  }
0x20: {  	[tilespmem:s15+$0x10] =	vst v0  }
0x21: {  	[tilespmem:s15+$0x0] =	vst v0  }
0x22: {  	[tilespmem:s15+$0xFFFFFFF0] =	vst v0  }
0x23: {  	[tilespmem:s15+$0xFFFFFFE0] =	vst v0  }
0x24: {  	[tilespmem:s15+$0xFFFFFFD0] =	vst v0  }
0x25: {  	s16 =	simm.s32 $0x40;
	[tilespmem:$0x9D80] =	vst v0  }
0x26: {  	v7 =	vld [tilespmem:s16+$0xFFFFFFC0]  }
0x27: {  	v4 =	vld [tilespmem:s16+$0xFFFFFFE0]  }
0x28: {  	s17 =	simm.s32 $0x27C0;
	v6 =	vld [tilespmem:s16+$0xFFFFFFF0]  }
0x29: {  	v11 =	vld [tilespmem:s17+$0xFFFFFFF0]  }
0x2a: {  	v2 =	vld [tilespmem:s17+$0xFFFFFFD0]  }
0x2b: {  	v3 =	vld [tilespmem:s16+$0x0]  }
0x2c: {  	v8 =	vld [tilespmem:s17+$0x0]  }
0x2d: {  	v5 =	vld [tilespmem:s17+$0xFFFFFFE0]  }
0x2e: {  	v9 =	vld [tilespmem:s16+$0x20]  }
0x2f: {  	v10 =	vld [tilespmem:s17+$0x20]  }
0x30: {  	v12 =	vld [tilespmem:s16+$0xFFFFFFD0];
	v3 =	vshll.u32 v3, $0xE  }
0x31: {  	s15 =	simm.s32 $0x4F40;
	v62 =	vld [tilespmem:s16+$0x30];
	v6 =	vshll.u32 v6, $0xE;
	v13 =	vor.u32 v8, v3  }
0x32: {  	v3 =	vld [tilespmem:s17+$0xFFFFFFC0];
	v6 =	vor.u32 v11, v6;
	[tilespmem:s15+$0x0] =	vst v13  }
0x33: {  	v14 =	vshll.u32 v4, $0xE;
	v4 =	vld [tilespmem:s17+$0x30];
	[tilespmem:s15+$0xFFFFFFF0] =	vst v6  }
0x34: {  	v6 =	vshll.u32 v9, $0xE;
	v9 =	vor.u32 v5, v14;
	[tilespmem:v8+s10+$0x0] =	vst.idx.add.f32.msk $0xffff, v1  }
0x35: {  	v63 =	vor.u32 v10, v6;
	[tilespmem:s15+$0xFFFFFFE0] =	vst v9;
	v6 =	vld [tilespmem:s17+$0x10]  }
0x36: {  	v7 =	vshll.u32 v7, $0xE;
	[tilespmem:v11+s10+$0x0] =	vst.idx.add.f32.msk $0xffff, v1  }
0x37: {  	s18 =	simm.s32 $0xC0;
	v12 =	vshll.u32 v12, $0xE;
	v8 =	vld [tilespmem:s16+$0x10];
	[tilespmem:s15+$0x20] =	vst v63;
	v9 =	vor.u32 v3, v7;
	v7 =	vshll.u32 v62, $0xE  }
0x38: {  	s19 =	simm.s32 $0x2840;
	s16 =	simm.s32 $0x0;
	s17 =	simm.s32 $0x4F40;
	[tilespmem:v10+s10+$0x0] =	vst.idx.add.f32.msk $0xffff, v1;
	v10 =	vor.u32 v2, v12;
	v7 =	vor.u32 v4, v7  }
.LBB2_4:
0x39: {  	s16 =	sadd.s32 $0x8, s16;
	[tilespmem:v5+s10+$0x0] =	vst.idx.add.f32.msk $0xffff, v1;
	s15 =	sadd.s32 $0x80, s15  }
0x3a: {  	v11 =	vld [tilespmem:s18+$0xFFFFFFC0];
	p0 =	slt.u32 s16, $0x268;
	[tilespmem:s17+$0xFFFFFFD0] =	vst v10  }
0x3b: {  	v10 =	vld [tilespmem:s18+$0xFFFFFFE0];
	[tilespmem:s17+$0xFFFFFFC0] =	vst v9  }
0x3c: {  	v5 =	vshll.u32 v8, $0xE;
	v9 =	vld [tilespmem:s18+$0xFFFFFFF0]  }
0x3d: {  	[tilespmem:v2+s10+$0x0] =	vst.idx.add.f32.msk $0xffff, v1;
	v2 =	vor.u32 v6, v5  }
0x3e: {  	v12 =	vld [tilespmem:s19+$0xFFFFFFF0];
	[tilespmem:s17+$0x10] =	vst v2  }
0x3f: {  	v2 =	vld [tilespmem:s19+$0xFFFFFFD0]  }
0x40: {  	[tilespmem:v6+s10+$0x0] =	vst.idx.add.f32.msk $0xffff, v1  }
0x41: {  	v6 =	vld [tilespmem:s18+$0x0];
	[tilespmem:s17+$0x30] =	vst v7;
	s17 =	smov.u32 s15  }
0x42: {  	v7 =	vld [tilespmem:s19+$0x0]  }
0x43: {  	v5 =	vld [tilespmem:s19+$0xFFFFFFE0]  }
0x44: {  	v8 =	vld [tilespmem:s18+$0xFFFFFFD0]  }
0x45: {  	v13 =	vld [tilespmem:s18+$0x20]  }
0x46: {  	[tilespmem:v4+s10+$0x0] =	vst.idx.add.f32.msk $0xffff, v1  }
0x47: {  	v4 =	vshll.u32 v6, $0xE;
	v14 =	vld [tilespmem:s19+$0x20]  }
0x48: {  	v4 =	vor.u32 v7, v4;
	[tilespmem:v3+s10+$0x0] =	vst.idx.add.f32.msk $0xffff, v1  }
0x49: {  	v6 =	vshll.u32 v9, $0xE;
	v3 =	vld [tilespmem:s19+$0xFFFFFFC0];
	[tilespmem:s15+$0x0] =	vst v4  }
0x4a: {  	v4 =	vor.u32 v12, v6;
	v6 =	vshll.u32 v13, $0xE;
	v13 =	vld [tilespmem:s18+$0x30]  }
0x4b: {  	v9 =	vshll.u32 v10, $0xE;
	[tilespmem:s15+$0xFFFFFFF0] =	vst v4;
	v4 =	vld [tilespmem:s19+$0x30]  }
.Ltmp1:
0x4c: {  	v9 =	vor.u32 v5, v9;
	[tilespmem:v7+s10+$0x0] =	vst.idx.add.f32.msk $0xffff, v1;
	v7 =	vor.u32 v14, v6;
	(pc) =	sbr.rel @p0 .LBB2_4-.Ltmp1, $4  }
0x4d: {  	v10 =	vshll.u32 v11, $0xE;
	v8 =	vshll.u32 v8, $0xE;
	[tilespmem:s15+$0xFFFFFFE0] =	vst v9;
	v6 =	vld [tilespmem:s19+$0x10]  }
0x4e: {  	v9 =	vor.u32 v3, v10;
	v10 =	vor.u32 v2, v8;
	v8 =	vld [tilespmem:s18+$0x10];
	[tilespmem:s15+$0x20] =	vst v7  }
0x4f: {  	[tilespmem:v14+s10+$0x0] =	vst.idx.add.f32.msk $0xffff, v1;
	v7 =	vshll.u32 v13, $0xE  }
0x50: {  	s19 =	sadd.s32 $0x80, s19;
	s18 =	sadd.s32 $0x80, s18;
	[tilespmem:v12+s10+$0x0] =	vst.idx.add.f32.msk $0xffff, v1;
	v7 =	vor.u32 v4, v7  }
0x51: {  	_ =	sdelay $0x3  }
0x52: {  	[tilespmem:v5+s10+$0x0] =	vst.idx.add.f32.msk $0xffff, v1  }
0x53: {  	[tilespmem:s17+$0xFFFFFFD0] =	vst v10  }
0x54: {  	[tilespmem:s17+$0xFFFFFFC0] =	vst v9  }
0x55: {  	[tilespmem:s17+$0x30] =	vst v7  }
0x56: {  	[tilespmem:v2+s10+$0x0] =	vst.idx.add.f32.msk $0xffff, v1  }
0x57: {  	[tilespmem:v4+s10+$0x0] =	vst.idx.add.f32.msk $0xffff, v1;
	v63 =	vshll.u32 v8, $0xE  }
0x58: {  	[tilespmem:v3+s10+$0x0] =	vst.idx.add.f32.msk $0xffff, v1;
	v2 =	vor.u32 v6, v63  }
0x59: {  	[tilespmem:s17+$0x10] =	vst v2  }
0x5a: {  	[tilespmem:v6+s10+$0x0] =	vst.idx.add.f32.msk $0xffff, v1  }
0x5b: {  	v2 =	vld [tilespmem:$0x2700]  }
0x5c: {  	v3 =	vld [tilespmem:$0x4E80];
	_ =	sdelay $0x4  }
0x5d: {  	v2 =	vshll.u32 v2, $0xE  }
0x5e: {  	v2 =	vor.u32 v3, v2  }
0x5f: {  	[tilespmem:$0x7600] =	vst v2  }
0x60: {  	[tilespmem:v3+s10+$0x0] =	vst.idx.add.f32.msk $0xffff, v1  }
0x61: {  	[hbm4b:s5+s11] =	stream.strided.scatter [tilespmem:s10], [sflag:$0x1], $0x2780, s12, s11, $0x38;
	[tilespmem:$0x9E00] =	vst v63  }
0x62: {  	s14 =	sadd.s32 $0x1, s14;
	_ =	swait.ge [sflag:s8], $0x2780  }
0x63: {  	p0 =	sne.s32 s14, s7;
	[sflag:s8] =	ssyncset.done $0x0  }
.Ltmp2:
0x64: {  	[sflag:s8] =	ssyncadd.s32 $0xFFFFD880;
	(pc) =	sbr.rel @p0 .LBB2_1-.Ltmp2, $4  }
0x65: {  	[hbm4b:s6+s2] =	stream.linear.scatter [tilespmem:s13], [sflag:$0x1], $0x2710, $0x38;
	[tilespmem:$0x9E00] =	vst v63  }
0x66: {  	_ =	swait.ge [sflag:s8], $0x2710  }
0x67: {  	[sflag:s8] =	ssyncset.done $0x0  }
0x68: {  	[sflag:s8] =	ssyncadd.s32 $0xFFFFD8F0  }
0x69: {  	_ =	sfence.sel $0x180000  }
0x6a: {  	[bflag:$0x0] =	sbarrier.arrive $0xFFFF  }
0x6b: {  	p0 =	sne.s32 s0, $0x0;
	_ =	strace $0x90000047  }
0x6c: {  	s0 =	sadd.s32 @!p0 $0x100000, s1;
	[bflag:$0x2] =	sbarrier.arrive $0xFFFF  }
0x6d: {  	[sflag:s0] =	ssyncadd.tile.s32 @!p0 $0x1;
	_ =	shalt  }
.Lfunc_end2:
_tile_overlayer_lowered:
.L_overlay_start_2:
0x6e: {  	(tag) =	ssettag $0x2  }
0x6f: {  	s0 =	rddreg [dreg:$0x0];
	s2 =	stileid.u32  }
0x70: {  	s1 =	rddreg [dreg:$0x1];
	p0 =	sne.s32 s2, $0x0  }
0x71: {  	s3 =	rddreg [dreg:$0x2];
	[bflag:$0x3] =	sbarrier.arrive $0xFFFF;
	s2 =	simm.s32 @!p0 $0x1C01  }
0x72: {  	[timem:s3], [sflag:s2] =	dma.local @!p0 [hbm:s0], s1  }
0x73: {  	s0 =	simm.s32 @!p0 $0x1  }
0x74: {  	_ =	swait.ge @!p0 [sflag:s0], s1  }
0x75: {  	s1 =	ssub.s32 @!p0 $0x0, s1;
	[sflag:s0] =	ssyncset.done @!p0 $0x0  }
0x76: {  	[sflag:s0] =	ssyncadd.s32 @!p0 s1  }
0x77: {  	[bflag:$0x3] =	sbarrier.arrive $0xFFFF  }
0x78: {  	_ =	shalt  }

// kernel: kernel.9.cloned.1.call-start
scs
__scs_entry_jumppad:
0x0: {  	(pc) =	sbr.rel $0x88, $3  }
0x1: {  	(tag) =	ssettag $0x0;
	lr =	simm.s32 $0x1  }
0x2: {  	[smem:$0x3F99] =	sst lr;
	_ =	strace $0xD0000000  }
0x3: {  	_ = 	snop  }
0x4: {  	_ = 	snop  }
0x5: {  	_ = 	snop  }
0x6: {  	_ = 	snop  }
0x7: {  	_ = 	snop  }
__scs_overlays_trampoline_lowered:
0x8: {  	[smem:$0x3FA8] =	sst s0  }
0x9: {  	[smem:$0x3FA9] =	sst s1  }
0xa: {  	[smem:$0x3FAA] =	sst s2  }
0xb: {  	[smem:$0x3FAB] =	sst s3  }
0xc: {  	[smem:$0x3FAC] =	sst s4  }
0xd: {  	[smem:$0x3FAD] =	sst s5  }
0xe: {  	[smem:$0x3FAE] =	sst s6  }
0xf: {  	[smem:$0x3FAF] =	sst s7  }
0x10: {  	[smem:$0x3FB0] =	sst s8  }
0x11: {  	[smem:$0x3FB1] =	sst s9;
	s0 =	simm.s32 @!p0 $0x0  }
0x12: {  	s1 =	sld [smem:$0x3F97];
	s0 =	simm.s32 @p0 $0x1  }
0x13: {  	[smem:$0x3FB2] =	sst s0;
	s0 =	simm.s32 @!p1 $0x0  }
0x14: {  	s2 =	sld [smem:$0x3F96];
	s0 =	simm.s32 @p1 $0x1  }
0x15: {  	[smem:$0x3FB3] =	sst s0;
	s0 =	simm.s32 @!p2 $0x0  }
0x16: {  	s3 =	sld [smem:$0x3FDB];
	s0 =	simm.s32 @p2 $0x1  }
0x17: {  	s4 =	simm.s32 $0x1BF5;
	[smem:$0x3FB5] =	sst s0  }
0x18: {  	s0 =	sld [smem:$0x3F98];
	_ =	swait.ge [sflag:s4], $0x0  }
0x19: {  	s7 =	sld [smem:$0x3F99]  }
0x1a: {  	s8 =	sadd.s32 $0xFFFFE003, lr  }
0x1b: {  	s9 =	sadd.s32 $0xFFFFFEF7, lr;
	s5 =	simm.s32 $0xFFFFFFFF;
	p2 =	slt.u32 s8, $0xFFFFF086  }
0x1c: {  	p1 =	slt.u32 s9, $0xF7A;
	s5 =	simm.s32 @!p2 $0x0  }
0x1d: {  	s5 =	simm.s32 @p1 $0x1;
	p0 =	seq.s32 s7, s2  }
0x1e: {  	s7 =	smul.u32 @!p0 $0xF7A, s2;
	p2 =	seq.s32 @!p0 s5, $0x0  }
0x1f: {  	s9 =	smul.u32 $0xF7A, s1;
	s8 =	simm.s32 @!p0 $0x1BF5;
	p2 =	por !p2, p0  }
0x20: {  	[sflag:s8] =	ssyncset.s32 @!p0 $0xFFFFF086;
	s6 =	sadd.s32 @!p0 s3, s7;
	s7 =	simm.s32 @!p0 $0x108  }
0x21: {  	s3 =	sadd.s32 s3, s9;
	s6 =	sadd.s32 @!p0 $0x88, s6;
	s7 =	simm.s32 @p2 $0x1082  }
0x22: {  	[simem:s7], [sflag:s8] =	dma.local @!p0 [hbm:s6], $0xF7A  }
0x23: {  	s9 =	sor.u32 $0xD0000000, s2;
	s6 =	simm.s32 $0x108;
	_ =	swait.ge @!p0 [sflag:s8], $0x0  }
0x24: {  	s3 =	sadd.s32 $0x88, s3;
	s6 =	simm.s32 @!p1 $0x1082;
	[sflag:s4] =	ssyncset.s32 $0xFFFFF086  }
0x25: {  	[simem:s6], [sflag:s4] =	dma.local [hbm:s3], $0xF7A  }
0x26: {  	[smem:$0x3F99] =	sst s1;
	(tag) =	ssettag s2;
	_ =	strace s9  }
0x27: {  	s1 =	sld [smem:$0x3FA9]  }
0x28: {  	s2 =	sld [smem:$0x3FAA]  }
0x29: {  	s4 =	sld [smem:$0x3FAC]  }
0x2a: {  	p0 =	seq.s32 s5, $0x0;
	s5 =	sld [smem:$0x3FAD]  }
0x2b: {  	s6 =	sld [smem:$0x3FAE]  }
0x2c: {  	s7 =	sld [smem:$0x3FAF]  }
0x2d: {  	s3 =	simm.s32 $0x108;
	s8 =	sld [smem:$0x3FB0]  }
0x2e: {  	s3 =	simm.s32 @!p0 $0x1082;
	s9 =	sld [smem:$0x3FB1]  }
0x2f: {  	lr =	sadd.s32 s0, s3;
	s0 =	sld [smem:$0x3FA8]  }
0x30: {  	s3 =	sld [smem:$0x3FAB]  }
0x31: {  	[smem:$0x3FB4] =	sst s10  }
0x32: {  	s10 =	sld [smem:$0x3FB2];
	_ =	sdelay $0x3  }
0x33: {  	p0 =	seq.s32 s10, $0x1;
	s10 =	sld [smem:$0x3FB4];
	_ =	sdelay $0x3  }
0x34: {  	[smem:$0x3FB4] =	sst s10  }
0x35: {  	s10 =	sld [smem:$0x3FB3];
	_ =	sdelay $0x3  }
0x36: {  	p1 =	seq.s32 s10, $0x1;
	s10 =	sld [smem:$0x3FB4];
	_ =	sdelay $0x3  }
0x37: {  	[smem:$0x3FB4] =	sst s10  }
0x38: {  	s10 =	sld [smem:$0x3FB5]  }
0x39: {  	_ = 	snop;
	(pc) =	sbr.ind lr, $3  }
0x3a: {  	_ = 	snop  }
0x3b: {  	_ = 	snop  }
0x3c: {  	p2 =	seq.s32 s10, $0x1;
	s10 =	sld [smem:$0x3FB4]  }
0x3d: {  	_ =	shalt  }
0x3e: {  	_ =	shalt  }
0x3f: {  	_ =	shalt  }
0x40: {  	_ =	shalt  }
0x41: {  	_ =	shalt  }
0x42: {  	_ =	shalt  }
0x43: {  	_ =	shalt  }
0x44: {  	_ =	shalt  }
0x45: {  	_ =	shalt  }
0x46: {  	_ =	shalt  }
0x47: {  	_ =	shalt  }
0x48: {  	_ =	shalt  }
0x49: {  	_ =	shalt  }
0x4a: {  	_ =	shalt  }
0x4b: {  	_ =	shalt  }
0x4c: {  	_ =	shalt  }
0x4d: {  	_ =	shalt  }
0x4e: {  	_ =	shalt  }
0x4f: {  	_ =	shalt  }
0x50: {  	_ =	shalt  }
0x51: {  	_ =	shalt  }
0x52: {  	_ =	shalt  }
0x53: {  	_ =	shalt  }
0x54: {  	_ =	shalt  }
0x55: {  	_ =	shalt  }
0x56: {  	_ =	shalt  }
0x57: {  	_ =	shalt  }
0x58: {  	_ =	shalt  }
0x59: {  	_ =	shalt  }
0x5a: {  	_ =	shalt  }
0x5b: {  	_ =	shalt  }
0x5c: {  	_ =	shalt  }
0x5d: {  	_ =	shalt  }
0x5e: {  	_ =	shalt  }
0x5f: {  	_ =	shalt  }
0x60: {  	_ =	shalt  }
0x61: {  	_ =	shalt  }
0x62: {  	_ =	shalt  }
0x63: {  	_ =	shalt  }
0x64: {  	_ =	shalt  }
0x65: {  	_ =	shalt  }
0x66: {  	_ =	shalt  }
0x67: {  	_ =	shalt  }
0x68: {  	_ =	shalt  }
0x69: {  	_ =	shalt  }
0x6a: {  	_ =	shalt  }
0x6b: {  	_ =	shalt  }
0x6c: {  	_ =	shalt  }
0x6d: {  	_ =	shalt  }
0x6e: {  	_ =	shalt  }
0x6f: {  	_ =	shalt  }
0x70: {  	_ =	shalt  }
0x71: {  	_ =	shalt  }
0x72: {  	_ =	shalt  }
0x73: {  	_ =	shalt  }
0x74: {  	_ =	shalt  }
0x75: {  	_ =	shalt  }
0x76: {  	_ =	shalt  }
0x77: {  	_ =	shalt  }
0x78: {  	_ =	shalt  }
0x79: {  	_ =	shalt  }
0x7a: {  	_ =	shalt  }
0x7b: {  	_ =	shalt  }
0x7c: {  	_ =	shalt  }
0x7d: {  	_ =	shalt  }
0x7e: {  	_ =	shalt  }
0x7f: {  	_ =	shalt  }
0x80: {  	_ =	shalt  }
0x81: {  	_ =	shalt  }
0x82: {  	_ =	shalt  }
0x83: {  	_ =	shalt  }
0x84: {  	_ =	shalt  }
0x85: {  	_ =	shalt  }
0x86: {  	_ =	shalt  }
0x87: {  	_ =	shalt  }
.Lfunc_end0:
.L_simem_size_0:
called_computation.1_lowered:
.L_overlay_start_0:
0x88: {  	s2 =	sld [smem:$0x3FD9]  }
0x89: {  	s3 =	sld [smem:$0x3FFE];
	_ =	sdelay $0x1  }
0x8a: {  	s1 =	srdreg.scid  }
0x8b: {  	s0 =	sand.u32 $0x1, s1  }
0x8c: {  	s16 =	sshll.u32 s0, $0xA;
	s2 =	sadd.s32 s3, s2  }
0x8d: {  	s2 =	sadd.s32 s2, s16  }
0x8e: {  	[smem:$0x3FC0] =	sst s2  }
0x8f: {  	_ = 	snop  }
0x90: {  	(tm) =	ssettm $0x1  }
0x91: {  	s17 =	sld [smem:$0x3FFB];
	_ =	sdelay $0x3  }
0x92: {  	_ =	strace s17  }
0x93: {  	s2 =	sld [smem:$0x3FFC];
	_ =	sdelay $0x3  }
0x94: {  	_ =	strace s2  }
0x95: {  	s2 =	sld [smem:$0x3FFD];
	_ =	sdelay $0x3  }
0x96: {  	_ =	strace s2  }
0x97: {  	_ =	strace $0x8FFFFFFF  }
0x98: {  	s18 =	sld [smem:$0x3FDB];
	_ =	sdelay $0x1  }
0x99: {  	s19 =	simm.s32 $_scs_section_size  }
0x9a: {  	s4 =	simm.s32 $_size__tile_overlayer_lowered;
	s5 =	simm.s32 $_tile_overlayer_lowered  }
0x9b: {  	s22 =	simm.s32 $0x1BFF;
	s21 =	sshll.u32 s5, $0x1;
	s2 =	sadd.s32 s19, s18  }
0x9c: {  	s6 =	simm.s32 $0x0;
	s20 =	sshll.u32 s4, $0x1;
	s4 =	sadd.s32 s21, s2  }
0x9d: {  	[timem:s6], [sflag:s22] =	dma.local [hbm:s4], s20  }
0x9e: {  	_ =	swait.ge [sflag:s22], s20  }
0x9f: {  	s3 =	ssub.s32 $0x0, s20;
	[sflag:s22] =	ssyncset.done $0x0  }
0xa0: {  	[sflag:s22] =	ssyncadd.s32 s3;
	_ =	sdelay $0x1  }
0xa1: {  	s23 =	simm.s32 $0x1B8B  }
0xa2: {  	_ =	swait.ge [sflag:s23], $0x1  }
0xa3: {  	[sflag:s23] =	ssyncset.done $0x0  }
0xa4: {  	s25 =	simm.s32 $0x1B8E;
	s24 =	sld [smem:$0x3FFE];
	[sflag:s23] =	ssyncadd.s32 $0xFFFFFFFF  }
0xa5: {  	s26 =	simm.s32 $execute0_lowered;
	[smem:$0x3FD2] =	sst s25  }
0xa6: {  	s4 =	sshll.u32 s26, $0x1;
	_ =	strace $0x80000049;
	[dreg:$0x1] =	wrdreg $0xFFFFFFFF  }
0xa7: {  	s28 =	simm.s32 $_size_execute0_lowered;
	s2 =	sadd.s32 s2, s4;
	[dreg:$0x0] =	wrdreg $0x0  }
0xa8: {  	s4 =	sshll.u32 s28, $0x1;
	[dreg:$0x2] =	wrdreg s2  }
0xa9: {  	[dreg:$0x3] =	wrdreg s4  }
0xaa: {  	[dreg:$0x4] =	wrdreg $0xC0  }
0xab: {  	_ =	task [dreg:s6], $0x5FFFF  }
0xac: {  	[dreg:$0x1] =	wrdreg $0xFFFFFFFF  }
0xad: {  	[dreg:$0x0] =	wrdreg $0x60  }
0xae: {  	[dreg:$0x2] =	wrdreg s24  }
0xaf: {  	[dreg:$0x3] =	wrdreg $0x9  }
0xb0: {  	_ =	task.clear_ibuf [dreg:s6], $0x4FFFF;
	_ =	strace $0x90000049  }
0xb1: {  	s29 =	simm.s32 $0x9;
	_ =	strace $0x8000004B  }
0xb2: {  	_ =	swait.ge [sflag:s29], $0x1  }
0xb3: {  	[sflag:s29] =	ssyncadd.s32 $0xFFFFFFFF  }
0xb4: {  	_ =	strace $0x9000004B  }
0xb5: {  	_ =	sfence  }
0xb6: {  	s30 =	sld [smem:$0x0];
	_ =	sdelay $0x2  }
0xb7: {  	s31 =	sshll.u32 s1, $0xD;
	s1 =	sshrl.u32 s1, $0x2  }
0xb8: {  	s3 =	sand.u32 $0x4000, s31;
	s1 =	sadd.s32 s1, s30  }
0xb9: {  	s0 =	sor.u32 s3, s0;
	s1 =	sshll.u32 s1, $0x11  }
0xba: {  	s0 =	sor.u32 s1, s0  }
0xbb: {  	s0 =	sadd.s32 $0x8F2B, s0  }
0xbc: {  	[sflag:s0] =	ssyncadd.remote.s32 $0x1  }
0xbd: {  	_ =	sfence.sel $0xFFFF  }
0xbe: {  	[dreg:$0x0] =	wrdreg $0xFFFFFFFF;
	(pc) =	sbr.abs _section_cstart, $3  }
0xbf: {  	[dreg:$0x1] =	wrdreg $0xFFFFFFFF  }
0xc0: {  	_ =	task.clear_ibuf [dreg:s6], $0x2FFFF;
	_ =	strace $0x9FFFFFFF  }
0xc1: {  	(tm) =	ssettm $0x7FFFFFFF  }
tec
execute0_lowered:
.L_overlay_start_1:
0x0: {  	(tag) =	ssettag $0x1  }
0x1: {  	s1 =	srdreg.scid;
	s0 =	stileid.u32  }
0x2: {  	s4 =	rddreg [dreg:$0x0];
	s2 =	simm.s32 $0x0;
	s11 =	simm.s32 $0x1  }
0x3: {  	s12 =	simm.s32 $0x4E80;
	s3 =	sand.u32 $0x1, s1;
	s30 =	sshll.u32 s0, $0x1  }
0x4: {  	s13 =	simm.s32 $0x2;
	s14 =	simm.s32 $0x9CA0;
	s5 =	sor.u32 s3, s30  }
0x5: {  	s15 =	simm.s32 $0x0;
	s1 =	rddreg [dreg:$0x1];
	s6 =	smul.u32 $0x9C4, s5  }
0x6: {  	[smem:$0x7FF] =	sst s2;
	s8 =	ssub.s32 $0x2, s3;
	s5 =	smul.u32 $0x4E20, s5  }
0x7: {  	s9 =	sadd.s32 $0x29400, s4;
	_ =	strace $0x8000004A;
	s10 =	sshrl.u32 s8, $0x1  }
0x8: {  	s3 =	sadd.s32 $0x1F600, s4;
	s8 =	ssub.s32 s8, s10;
	s5 =	sshrl.u32 s5, $0x3  }
0x9: {  	s10 =	simm.s32 $0x12980;
	s7 =	sadd.s32 s6, s4;
	s31 =	sadd.s32 s9, s5  }
0xa: {  	s4 =	sadd.s32 $0x1E00, s7;
	s5 =	sadd.s32 s9, s6;
	s7 =	smax.u32 s8, $0x1  }
0xb: {  	v0 =	vimm.f32 $0.0e+00;
	s8 =	simm.s32 $0xEB00;
	s9 =	simm.s32 $0x3;
	s6 =	sadd.s32 $0x13880, s31  }
.LBB2_1:
0xc: {  	[tilespmem:s8], [sflag:$0x1] =	stream.linear.gather [hbm4b:s3+s2], $0x3E80, $0x38;
	[tilespmem:$0x16800] =	vst v63  }
0xd: {  	_ = 	snop  }
0xe: {  	[tilespmem:s2], [sflag:$0x3] =	stream.linear.gather [hbm4b:s4+s2], $0x4E20, $0x38;
	[tilespmem:$0x16800] =	vst v63  }
0xf: {  	_ =	swait.ge [sflag:s9], $0x4E20  }
0x10: {  	[sflag:s9] =	ssyncset.done $0x0  }
0x11: {  	s16 =	simm.s32 $0x4EC0;
	[sflag:s9] =	ssyncadd.s32 $0xFFFFB1E0  }
0x12: {  	[tilespmem:s16+$0xFFFFFFC0] =	vst v0  }
0x13: {  	[tilespmem:s16+$0x30] =	vst v0  }
0x14: {  	[tilespmem:s16+$0x20] =	vst v0  }
0x15: {  	[tilespmem:s16+$0x10] =	vst v0  }
0x16: {  	[tilespmem:s16+$0x0] =	vst v0  }
0x17: {  	[tilespmem:s16+$0xFFFFFFF0] =	vst v0  }
0x18: {  	s17 =	simm.s32 $0x0;
	[tilespmem:s16+$0xFFFFFFE0] =	vst v0  }
.LBB2_2:
0x19: {  	s17 =	sadd.s32 $0x8, s17;
	[tilespmem:s16+$0xFFFFFFD0] =	vst v0;
	s16 =	sadd.s32 $0x80, s16  }
0x1a: {  	[tilespmem:s16+$0xFFFFFFC0] =	vst v0;
	p0 =	slt.u32 s17, $0x9B8  }
0x1b: {  	[tilespmem:s16+$0x30] =	vst v0  }
.Ltmp0:
0x1c: {  	[tilespmem:s16+$0x20] =	vst v0;
	(pc) =	sbr.rel @p0 .LBB2_2-.Ltmp0, $4  }
0x1d: {  	[tilespmem:s16+$0x10] =	vst v0  }
0x1e: {  	[tilespmem:s16+$0x0] =	vst v0  }
0x1f: {  	[tilespmem:s16+$0xFFFFFFF0] =	vst v0  }
0x20: {  	[tilespmem:s16+$0xFFFFFFE0] =	vst v0  }
0x21: {  	[tilespmem:s16+$0xFFFFFFD0] =	vst v0;
	s16 =	simm.s32 $0x0;
	s17 =	simm.s32 $0x0  }
.LBB2_4:
0x22: {  	p0 =	sne.s32 s17, $0xC0  }
.Ltmp1:
0x23: {  	_ = 	snop;
	(pc) =	sbr.rel @p0 .LBB2_4-.Ltmp1, $3  }
0x24: {  	_ =	sdelay $0x1  }
0x25: {  	s18 =	sshra.s32 s17, $0x2  }
0x26: {  	s17 =	sadd.s32 $0x40, s17;
	[tilespmem:s18+$0xEA80] =	vst v0  }
.LBB2_5:
0x27: {  	s17 =	smul.u32 $0x7D00, s16;
	_ =	sdelay $0x1  }
0x28: {  	s17 =	sshrl.u32 s17, $0x3  }
0x29: {  	s17 =	sadd.s32 s3, s17  }
0x2a: {  	s18 =	simm.s32 $0x0;
	s17 =	sadd.s32 $0x7D0, s17  }
0x2b: {  	[tilespmem:s10], [sflag:$0x2] =	stream.linear.gather [hbm4b:s17+s18], $0x3E80, $0x38;
	[tilespmem:$0x16800] =	vst v63  }
0x2c: {  	_ =	swait.ge [sflag:s11], $0x3E80  }
0x2d: {  	[sflag:s11] =	ssyncset.done $0x0  }
0x2e: {  	s26 =	simm.s32 $0x0;
	[sflag:s11] =	ssyncadd.s32 $0xFFFFC180  }
0x2f: {  	v1 =	vld [tilespmem:s26+$0xEB00];
	_ =	sdelay $0x2  }
0x30: {  	s28 =	simm.s32 $0x10  }
0x31: {  	v2 =	vld [tilespmem:s28+$0xEB00]  }
0x32: {  	v3 =	vshra.s32 v1, $0xE;
	_ =	sdelay $0x2  }
0x33: {  	s29 =	simm.s32 $0x20  }
0x34: {  	v5 =	vld [tilespmem:s29+$0xEB00];
	v4 =	vshra.s32 v2, $0xE  }
0x35: {  	v6 =	vld.idx.msk [tilespmem:v3+s2+$0x0], $0xffff  }
0x36: {  	v7 =	vand.u32 $0x3FFF, v1  }
0x37: {  	v8 =	vadd.s32 $0x4E20, v7  }
0x38: {  	v3 =	vadd.s32 $0x2710, v3  }
0x39: {  	s30 =	simm.s32 $0x30;
	v11 =	vshra.s32 v5, $0xE;
	v9 =	vld.idx.msk [tilespmem:v4+s2+$0x0], $0xffff  }
0x3a: {  	v10 =	vld [tilespmem:s30+$0xEB00];
	v1 =	vand.u32 $0x3FFF, v2;
	v2 =	vand.u32 $0xFFFF0000, v6  }
0x3b: {  	v6 =	vshll.u32 v6, $0x10;
	[tilespmem:v7+s12+$0x0] =	vst.idx.add.f32.msk $0xffff, v2  }
0x3c: {  	v12 =	vadd.s32 $0x4E20, v1;
	[tilespmem:v8+s12+$0x0] =	vst.idx.add.f32.msk $0xffff, v6  }
0x3d: {  	v8 =	vld.idx.msk [tilespmem:v3+s2+$0x0], $0xffff;
	v3 =	vadd.s32 $0x2710, v4  }
0x3e: {  	v14 =	vadd.s32 $0x2710, v7;
	v13 =	vld.idx.msk [tilespmem:v11+s2+$0x0], $0xffff;
	v2 =	vand.u32 $0xFFFF0000, v9  }
0x3f: {  	s31 =	simm.s32 $0x40;
	[tilespmem:v1+s12+$0x0] =	vst.idx.add.f32.msk $0xffff, v2  }
0x40: {  	v2 =	vand.u32 $0x3FFF, v5;
	v5 =	vld [tilespmem:s31+$0xEB00];
	v4 =	vshll.u32 v9, $0x10  }
0x41: {  	v6 =	vshra.s32 v10, $0xE;
	[tilespmem:v12+s12+$0x0] =	vst.idx.add.f32.msk $0xffff, v4  }
0x42: {  	v15 =	vadd.s32 $0x4E20, v2;
	v4 =	vld.idx.msk [tilespmem:v3+s2+$0x0], $0xffff;
	v3 =	vand.u32 $0xFFFF0000, v8  }
0x43: {  	[tilespmem:v14+s12+$0x0] =	vst.idx.add.f32.msk $0xffff, v3;
	v3 =	vand.u32 $0x3FFF, v10;
	v10 =	vadd.s32 $0x7530, v7  }
0x44: {  	v9 =	vand.u32 $0xFFFF0000, v13  }
0x45: {  	v12 =	vadd.s32 $0x2710, v11;
	[tilespmem:v2+s12+$0x0] =	vst.idx.add.f32.msk $0xffff, v9  }
0x46: {  	v13 =	vshll.u32 v13, $0x10;
	v11 =	vadd.s32 $0x2710, v1;
	v7 =	vld.idx.msk [tilespmem:v6+s2+$0x0], $0xffff  }
0x47: {  	s17 =	simm.s32 $0x140;
	v9 =	vshra.s32 v5, $0xE;
	v5 =	vand.u32 $0x3FFF, v5;
	[tilespmem:v15+s12+$0x0] =	vst.idx.add.f32.msk $0xffff, v13;
	v13 =	vshll.u32 v8, $0x10;
	v8 =	vmovc v3  }
.LBB2_6:
0x48: {  	s18 =	sshra.s32 s17, $0x2;
	p0 =	sne.s32 s17, $0xF9C0;
	s17 =	sadd.s32 $0x40, s17;
	[tilespmem:v10+s12+$0x0] =	vst.idx.add.f32.msk $0xffff, v13  }
0x49: {  	v14 =	vadd.s32 $0x4E20, v3;
	v15 =	vmov v4;
	v13 =	vld [tilespmem:s18+$0xEB00]  }
.Ltmp2:
0x4a: {  	v10 =	vadd.s32 $0x7530, v1;
	v1 =	vmovc v2;
	v2 =	vmovc v3;
	v3 =	vmov v5;
	v4 =	vld.idx.msk [tilespmem:v12+s2+$0x0], $0xffff;
	v12 =	vand.u32 $0xFFFF0000, v15;
	(pc) =	sbr.rel @p0 .LBB2_6-.Ltmp2, $4  }
0x4b: {  	[tilespmem:v11+s12+$0x0] =	vst.idx.add.f32.msk $0xffff, v12;
	v11 =	vmov v7  }
0x4c: {  	v12 =	vadd.s32 $0x2710, v6;
	v6 =	vmov v9;
	v7 =	vld.idx.msk [tilespmem:v9+s2+$0x0], $0xffff;
	v16 =	vand.u32 $0xFFFF0000, v11  }
0x4d: {  	v17 =	vshll.u32 v11, $0x10;
	v11 =	vadd.s32 $0x2710, v1;
	[tilespmem:v8+s12+$0x0] =	vst.idx.add.f32.msk $0xffff, v16;
	v8 =	vmov v5  }
0x4e: {  	v9 =	vshra.s32 v13, $0xE;
	v5 =	vand.u32 $0x3FFF, v13;
	[tilespmem:v14+s12+$0x0] =	vst.idx.add.f32.msk $0xffff, v17;
	v13 =	vshll.u32 v15, $0x10  }
0x4f: {  	_ =	sdelay $0x3  }
0x50: {  	[tilespmem:v10+s12+$0x0] =	vst.idx.add.f32.msk $0xffff, v13;
	v10 =	vadd.s32 $0x4E20, v3  }
0x51: {  	v13 =	vld.idx.msk [tilespmem:v9+s2+$0x0], $0xffff;
	v6 =	vadd.s32 $0x2710, v6  }
0x52: {  	v12 =	vld.idx.msk [tilespmem:v12+s2+$0x0], $0xffff;
	v14 =	vand.u32 $0xFFFF0000, v4  }
0x53: {  	[tilespmem:v11+s12+$0x0] =	vst.idx.add.f32.msk $0xffff, v14;
	v14 =	vadd.s32 $0x4E20, v5;
	v11 =	vand.u32 $0xFFFF0000, v7  }
0x54: {  	v7 =	vshll.u32 v7, $0x10;
	[tilespmem:v8+s12+$0x0] =	vst.idx.add.f32.msk $0xffff, v11;
	v8 =	vadd.s32 $0x2710, v9  }
0x55: {  	v1 =	vadd.s32 $0x7530, v1;
	[tilespmem:v10+s12+$0x0] =	vst.idx.add.f32.msk $0xffff, v7  }
0x56: {  	v7 =	vadd.s32 $0x2710, v2;
	v9 =	vand.u32 $0xFFFF0000, v13;
	v6 =	vld.idx.msk [tilespmem:v6+s2+$0x0], $0xffff  }
0x57: {  	v2 =	vadd.s32 $0x7530, v2;
	v10 =	vshll.u32 v13, $0x10;
	[tilespmem:v5+s12+$0x0] =	vst.idx.add.f32.msk $0xffff, v9  }
0x58: {  	v9 =	vadd.s32 $0x2710, v3;
	[tilespmem:v14+s12+$0x0] =	vst.idx.add.f32.msk $0xffff, v10  }
0x59: {  	v4 =	vshll.u32 v4, $0x10;
	v3 =	vadd.s32 $0x7530, v3;
	v8 =	vld.idx.msk [tilespmem:v8+s2+$0x0], $0xffff  }
0x5a: {  	[tilespmem:v1+s12+$0x0] =	vst.idx.add.f32.msk $0xffff, v4;
	v1 =	vand.u32 $0xFFFF0000, v12;
	v4 =	vadd.s32 $0x2710, v5  }
0x5b: {  	s17 =	sshll.u32 s16, $0x1;
	v5 =	vadd.s32 $0x7530, v5;
	[tilespmem:v7+s12+$0x0] =	vst.idx.add.f32.msk $0xffff, v1;
	v1 =	vshll.u32 v12, $0x10  }
0x5c: {  	s17 =	sadd.s32 $0x2, s17;
	[tilespmem:v2+s12+$0x0] =	vst.idx.add.f32.msk $0xffff, v1;
	v1 =	vand.u32 $0xFFFF0000, v6  }
0x5d: {  	s18 =	smul.u32 $0x7D0, s17;
	[tilespmem:v9+s12+$0x0] =	vst.idx.add.f32.msk $0xffff, v1;
	v1 =	vshll.u32 v6, $0x10  }
0x5e: {  	p0 =	seq.s32 s17, $0x14;
	[tilespmem:v3+s12+$0x0] =	vst.idx.add.f32.msk $0xffff, v1;
	v1 =	vand.u32 $0xFFFF0000, v8  }
0x5f: {  	s18 =	simm.s32 @p0 $0x0;
	[tilespmem:v4+s12+$0x0] =	vst.idx.add.f32.msk $0xffff, v1;
	v1 =	vshll.u32 v8, $0x10  }
0x60: {  	s25 =	simm.s32 $0x0;
	s24 =	sadd.s32 s3, s18;
	[tilespmem:v5+s12+$0x0] =	vst.idx.add.f32.msk $0xffff, v1  }
0x61: {  	[tilespmem:s8], [sflag:$0x1] =	stream.linear.gather [hbm4b:s24+s25], $0x3E80, $0x38;
	[tilespmem:$0x16800] =	vst v63  }
0x62: {  	_ =	swait.ge [sflag:s13], $0x3E80  }
0x63: {  	[sflag:s13] =	ssyncset.done $0x0  }
0x64: {  	s26 =	simm.s32 $0x0;
	[sflag:s13] =	ssyncadd.s32 $0xFFFFC180  }
0x65: {  	v1 =	vld [tilespmem:s26+$0x12980];
	_ =	sdelay $0x2  }
0x66: {  	s28 =	simm.s32 $0x10  }
0x67: {  	v2 =	vld [tilespmem:s28+$0x12980]  }
0x68: {  	v3 =	vshra.s32 v1, $0xE;
	_ =	sdelay $0x2  }
0x69: {  	s29 =	simm.s32 $0x20  }
0x6a: {  	v5 =	vld [tilespmem:s29+$0x12980];
	v4 =	vshra.s32 v2, $0xE  }
0x6b: {  	v6 =	vld.idx.msk [tilespmem:v3+s2+$0x0], $0xffff  }
0x6c: {  	v7 =	vand.u32 $0x3FFF, v1  }
0x6d: {  	v8 =	vadd.s32 $0x4E20, v7  }
0x6e: {  	v3 =	vadd.s32 $0x2710, v3  }
0x6f: {  	s30 =	simm.s32 $0x30;
	v10 =	vshra.s32 v5, $0xE;
	v9 =	vld.idx.msk [tilespmem:v4+s2+$0x0], $0xffff  }
0x70: {  	v11 =	vld [tilespmem:s30+$0x12980];
	v1 =	vand.u32 $0x3FFF, v2;
	v2 =	vand.u32 $0xFFFF0000, v6  }
0x71: {  	v6 =	vshll.u32 v6, $0x10;
	[tilespmem:v7+s12+$0x0] =	vst.idx.add.f32.msk $0xffff, v2  }
0x72: {  	v12 =	vadd.s32 $0x4E20, v1;
	[tilespmem:v8+s12+$0x0] =	vst.idx.add.f32.msk $0xffff, v6  }
0x73: {  	v13 =	vld.idx.msk [tilespmem:v3+s2+$0x0], $0xffff;
	v3 =	vadd.s32 $0x2710, v4  }
0x74: {  	v14 =	vadd.s32 $0x2710, v7;
	v2 =	vand.u32 $0xFFFF0000, v9;
	v8 =	vld.idx.msk [tilespmem:v10+s2+$0x0], $0xffff  }
0x75: {  	s31 =	simm.s32 $0x40;
	[tilespmem:v1+s12+$0x0] =	vst.idx.add.f32.msk $0xffff, v2  }
0x76: {  	v2 =	vand.u32 $0x3FFF, v5;
	v5 =	vld [tilespmem:s31+$0x12980];
	v4 =	vshll.u32 v9, $0x10  }
0x77: {  	v6 =	vshra.s32 v11, $0xE;
	[tilespmem:v12+s12+$0x0] =	vst.idx.add.f32.msk $0xffff, v4  }
0x78: {  	v15 =	vadd.s32 $0x4E20, v2;
	v4 =	vld.idx.msk [tilespmem:v3+s2+$0x0], $0xffff;
	v3 =	vand.u32 $0xFFFF0000, v13  }
0x79: {  	[tilespmem:v14+s12+$0x0] =	vst.idx.add.f32.msk $0xffff, v3;
	v3 =	vand.u32 $0x3FFF, v11;
	v11 =	vadd.s32 $0x7530, v7  }
0x7a: {  	v9 =	vadd.s32 $0x2710, v10;
	v12 =	vand.u32 $0xFFFF0000, v8;
	v10 =	vshll.u32 v8, $0x10  }
0x7b: {  	[tilespmem:v2+s12+$0x0] =	vst.idx.add.f32.msk $0xffff, v12  }
0x7c: {  	v12 =	vadd.s32 $0x2710, v1;
	v7 =	vld.idx.msk [tilespmem:v6+s2+$0x0], $0xffff  }
0x7d: {  	s17 =	simm.s32 $0x140;
	v8 =	vshra.s32 v5, $0xE;
	v5 =	vand.u32 $0x3FFF, v5;
	v13 =	vshll.u32 v13, $0x10;
	[tilespmem:v15+s12+$0x0] =	vst.idx.add.f32.msk $0xffff, v10;
	v10 =	vmovc v3  }
.LBB2_8:
0x7e: {  	s18 =	sshra.s32 s17, $0x2;
	p0 =	sne.s32 s17, $0xF9C0;
	s17 =	sadd.s32 $0x40, s17;
	[tilespmem:v11+s12+$0x0] =	vst.idx.add.f32.msk $0xffff, v13  }
0x7f: {  	v14 =	vadd.s32 $0x4E20, v3;
	v15 =	vmov v4;
	v13 =	vld [tilespmem:s18+$0x12980]  }
.Ltmp3:
0x80: {  	v11 =	vadd.s32 $0x7530, v1;
	v1 =	vmovc v2;
	v2 =	vmovc v3;
	v3 =	vmov v5;
	v4 =	vld.idx.msk [tilespmem:v9+s2+$0x0], $0xffff;
	v9 =	vand.u32 $0xFFFF0000, v15;
	(pc) =	sbr.rel @p0 .LBB2_8-.Ltmp3, $4  }
0x81: {  	[tilespmem:v12+s12+$0x0] =	vst.idx.add.f32.msk $0xffff, v9;
	v12 =	vmov v7  }
0x82: {  	v9 =	vadd.s32 $0x2710, v6;
	v6 =	vmov v8;
	v7 =	vld.idx.msk [tilespmem:v8+s2+$0x0], $0xffff;
	v16 =	vand.u32 $0xFFFF0000, v12  }
0x83: {  	v17 =	vshll.u32 v12, $0x10;
	v12 =	vadd.s32 $0x2710, v1;
	[tilespmem:v10+s12+$0x0] =	vst.idx.add.f32.msk $0xffff, v16;
	v10 =	vmov v5  }
0x84: {  	v8 =	vshra.s32 v13, $0xE;
	v5 =	vand.u32 $0x3FFF, v13;
	[tilespmem:v14+s12+$0x0] =	vst.idx.add.f32.msk $0xffff, v17;
	v13 =	vshll.u32 v15, $0x10  }
0x85: {  	_ =	sdelay $0x3  }
0x86: {  	[tilespmem:v11+s12+$0x0] =	vst.idx.add.f32.msk $0xffff, v13;
	v51 =	vadd.s32 $0x4E20, v3  }
0x87: {  	v14 =	vld.idx.msk [tilespmem:v8+s2+$0x0], $0xffff;
	v6 =	vadd.s32 $0x2710, v6  }
0x88: {  	v52 =	vand.u32 $0xFFFF0000, v4;
	v9 =	vld.idx.msk [tilespmem:v9+s2+$0x0], $0xffff  }
0x89: {  	v54 =	vadd.s32 $0x4E20, v5;
	[tilespmem:v12+s12+$0x0] =	vst.idx.add.f32.msk $0xffff, v52;
	v53 =	vand.u32 $0xFFFF0000, v7  }
0x8a: {  	v56 =	vadd.s32 $0x2710, v8;
	v55 =	vshll.u32 v7, $0x10;
	[tilespmem:v10+s12+$0x0] =	vst.idx.add.f32.msk $0xffff, v53  }
0x8b: {  	v1 =	vadd.s32 $0x7530, v1;
	[tilespmem:v51+s12+$0x0] =	vst.idx.add.f32.msk $0xffff, v55  }
0x8c: {  	v57 =	vadd.s32 $0x2710, v2;
	v58 =	vand.u32 $0xFFFF0000, v14;
	v6 =	vld.idx.msk [tilespmem:v6+s2+$0x0], $0xffff  }
0x8d: {  	v2 =	vadd.s32 $0x7530, v2;
	v59 =	vshll.u32 v14, $0x10;
	[tilespmem:v5+s12+$0x0] =	vst.idx.add.f32.msk $0xffff, v58  }
0x8e: {  	v60 =	vadd.s32 $0x2710, v3;
	[tilespmem:v54+s12+$0x0] =	vst.idx.add.f32.msk $0xffff, v59  }
0x8f: {  	v61 =	vshll.u32 v4, $0x10;
	v3 =	vadd.s32 $0x7530, v3;
	v8 =	vld.idx.msk [tilespmem:v56+s2+$0x0], $0xffff  }
0x90: {  	v62 =	vadd.s32 $0x2710, v5;
	s16 =	sadd.s32 $0x1, s16;
	[tilespmem:v1+s12+$0x0] =	vst.idx.add.f32.msk $0xffff, v61;
	v1 =	vand.u32 $0xFFFF0000, v9  }
0x91: {  	v63 =	vadd.s32 $0x7530, v5;
	p0 =	sne.s32 s16, $0xA;
	[tilespmem:v57+s12+$0x0] =	vst.idx.add.f32.msk $0xffff, v1;
	v1 =	vshll.u32 v9, $0x10  }
.Ltmp4:
0x92: {  	[tilespmem:v2+s12+$0x0] =	vst.idx.add.f32.msk $0xffff, v1;
	v1 =	vand.u32 $0xFFFF0000, v6;
	(pc) =	sbr.rel @p0 .LBB2_5-.Ltmp4, $4  }
0x93: {  	[tilespmem:v60+s12+$0x0] =	vst.idx.add.f32.msk $0xffff, v1;
	v1 =	vshll.u32 v6, $0x10  }
0x94: {  	[tilespmem:v3+s12+$0x0] =	vst.idx.add.f32.msk $0xffff, v1;
	v1 =	vand.u32 $0xFFFF0000, v8  }
0x95: {  	[tilespmem:v62+s12+$0x0] =	vst.idx.add.f32.msk $0xffff, v1;
	v1 =	vshll.u32 v8, $0x10  }
0x96: {  	[tilespmem:v63+s12+$0x0] =	vst.idx.add.f32.msk $0xffff, v1  }
0x97: {  	_ =	swait.ge [sflag:s11], $0x3E80  }
0x98: {  	[sflag:s11] =	ssyncset.done $0x0  }
0x99: {  	[sflag:s11] =	ssyncadd.s32 $0xFFFFC180  }
0x9a: {  	[hbm4b:s5+s2] =	stream.linear.scatter [tilespmem:s12], [sflag:$0x3], $0x4E20, $0x38;
	[tilespmem:$0x16800] =	vst v63  }
0x9b: {  	s15 =	sadd.s32 $0x1, s15;
	_ =	swait.ge [sflag:s9], $0x4E20  }
0x9c: {  	p0 =	sne.s32 s15, s7;
	[sflag:s9] =	ssyncset.done $0x0  }
.Ltmp5:
0x9d: {  	[sflag:s9] =	ssyncadd.s32 $0xFFFFB1E0;
	(pc) =	sbr.rel @p0 .LBB2_1-.Ltmp5, $4  }
0x9e: {  	[hbm4b:s6+s2] =	stream.linear.scatter [tilespmem:s14], [sflag:$0x3], $0x4E20, $0x38;
	[tilespmem:$0x16800] =	vst v63  }
0x9f: {  	_ =	swait.ge [sflag:s9], $0x4E20  }
0xa0: {  	[sflag:s9] =	ssyncset.done $0x0  }
0xa1: {  	[sflag:s9] =	ssyncadd.s32 $0xFFFFB1E0  }
0xa2: {  	_ =	sfence.sel $0x180000  }
0xa3: {  	[bflag:$0x0] =	sbarrier.arrive $0xFFFF  }
0xa4: {  	p0 =	sne.s32 s0, $0x0;
	_ =	strace $0x9000004A  }
0xa5: {  	s0 =	sadd.s32 @!p0 $0x100000, s1;
	[bflag:$0x2] =	sbarrier.arrive $0xFFFF  }
0xa6: {  	[sflag:s0] =	ssyncadd.tile.s32 @!p0 $0x1;
	_ =	shalt  }
.Lfunc_end2:
_tile_overlayer_lowered:
.L_overlay_start_2:
0xa7: {  	(tag) =	ssettag $0x2  }
0xa8: {  	s0 =	rddreg [dreg:$0x0];
	s2 =	stileid.u32  }
0xa9: {  	s1 =	rddreg [dreg:$0x1];
	p0 =	sne.s32 s2, $0x0  }
0xaa: {  	s3 =	rddreg [dreg:$0x2];
	[bflag:$0x3] =	sbarrier.arrive $0xFFFF;
	s2 =	simm.s32 @!p0 $0x1C03  }
0xab: {  	[timem:s3], [sflag:s2] =	dma.local @!p0 [hbm:s0], s1  }
0xac: {  	s0 =	simm.s32 @!p0 $0x3  }
0xad: {  	_ =	swait.ge @!p0 [sflag:s0], s1  }
0xae: {  	s1 =	ssub.s32 @!p0 $0x0, s1;
	[sflag:s0] =	ssyncset.done @!p0 $0x0  }
0xaf: {  	[sflag:s0] =	ssyncadd.s32 @!p0 s1  }
0xb0: {  	[bflag:$0x3] =	sbarrier.arrive $0xFFFF  }
0xb1: {  	_ =	shalt  }

</sc_bundles>
